<compile_context>
chip_gen: v7x
topology: tpu7x:2x2x1
jax: 0.10.2.dev20260603
libtpu: 0.0.44.dev20260713+nightly
codegen_flags: <defaults>
</compile_context>

<pallas_src>
import functools

import jax
import jax.numpy as jnp
from jax import lax
from jax.experimental import pallas as pl
from jax.experimental.pallas import tpu as pltpu
from jax.experimental.pallas import tpu_sc as plsc

_B = 8000
_R = 8
_BIG = 2**30


def _main_body(xv_ref, yv_ref, zv_ref, recv_ref, idx_ref, r4, rv, ri):
    i = pl.program_id(0)

    @pl.when(i == 0)
    def _init():
        r4[:, 0:3] = recv_ref[...] * (-2.0)
        r4[:, 3:4] = jnp.ones((32, 1), jnp.float32)
        rv[...] = jnp.full((32, 1), jnp.inf, jnp.float32)
        ri[...] = jnp.zeros((32, 1), jnp.int32)

    xb = xv_ref[...]
    yb = yv_ref[...]
    zb = zv_ref[...]
    sb = xb * xb + yb * yb + zb * zb

    lane = lax.broadcasted_iota(jnp.int32, (32, 1000), 1)
    acc = None
    accidx = None
    for r in range(_R):
        p4 = jnp.concatenate(
            [xb[r:r + 1, :], yb[r:r + 1, :], zb[r:r + 1, :], sb[r:r + 1, :]],
            axis=0)
        s_r = lax.dot_general(r4[...], p4, (((1,), (0,)), ((), ())),
                              precision=lax.Precision.HIGHEST,
                              preferred_element_type=jnp.float32)
        pos_r = lane + r * 1000
        if acc is None:
            acc, accidx = s_r, pos_r
        else:
            m = s_r < acc
            acc = jnp.minimum(acc, s_r)
            accidx = jnp.where(m, pos_r, accidx)

    bmin = jnp.min(acc, axis=1, keepdims=True)
    bidx = jnp.min(jnp.where(acc <= bmin, accidx, _BIG), axis=1,
                   keepdims=True)
    gidx = bidx + i * _B

    better = bmin < rv[...]
    rv[...] = jnp.where(better, bmin, rv[...])
    ri[...] = jnp.where(better, gidx, ri[...])
    idx_ref[...] = jnp.broadcast_to(ri[...], (32, 128))


def _tc_main(xv, yv, zv, recv, n):
    grid = n // _B
    idx = pl.pallas_call(
        _main_body,
        grid=(grid,),
        in_specs=[
            pl.BlockSpec((_R, 1000), lambda i: (i, 0)),
            pl.BlockSpec((_R, 1000), lambda i: (i, 0)),
            pl.BlockSpec((_R, 1000), lambda i: (i, 0)),
            pl.BlockSpec((32, 3), lambda i: (0, 0)),
        ],
        out_specs=pl.BlockSpec((32, 128), lambda i: (0, 0)),
        out_shape=jax.ShapeDtypeStruct((32, 128), jnp.int32),
        scratch_shapes=[
            pltpu.VMEM((32, 4), jnp.float32),
            pltpu.VMEM((32, 1), jnp.float32),
            pltpu.VMEM((32, 1), jnp.int32),
        ],
        compiler_params=pltpu.CompilerParams(
            dimension_semantics=("arbitrary",),
        ),
    )(xv, yv, zv, recv)
    return idx


def _sc_mat_body(mesh1d_hbm, out1d_hbm, vin, vout):
    cid = lax.axis_index("c")
    sid = lax.axis_index("s")
    wid = cid * 16 + sid

    lanes = lax.iota(jnp.int32, 16)
    c = lax.bitwise_and(lanes, 3)
    is3 = c == 3
    pat = (lanes >> 2) * 3 + jnp.where(is3, 0, c)
    zeros16 = jnp.zeros((16,), jnp.float32)

    def chunk_body(t, carry):
        k = wid + 32 * t

        @pl.when(k < 1000)
        def _():
            pltpu.sync_copy(mesh1d_hbm.at[pl.ds(k * 3000, 3000)], vin)

            def vloop(v, carry2):
                idx = pat + 12 * v
                vals = plsc.load_gather(vin, [idx])
                vals = jnp.where(is3, zeros16, vals)
                vout[pl.ds(16 * v, 16)] = vals
                return carry2

            lax.fori_loop(0, 250, vloop, 0)
            pltpu.sync_copy(vout, out1d_hbm.at[pl.ds(k * 4000, 4000)])

        return carry

    lax.fori_loop(0, 32, chunk_body, 0)


@functools.cache
def _sc_mat():
    return pl.kernel(
        _sc_mat_body,
        out_type=jax.ShapeDtypeStruct((4_000_000,), jnp.float32),
        mesh=plsc.VectorSubcoreMesh(core_axis_name="c", subcore_axis_name="s"),
        scratch_types=[
            pltpu.VMEM((3000,), jnp.float32),
            pltpu.VMEM((4000,), jnp.float32),
        ],
        compiler_params=pltpu.CompilerParams(needs_layout_passes=False),
    )


def _sc_finale_body(minidx_hbm, out_rows_ref, closest_hbm,
                    idx_v, rid_v, pos_v, base_v, buf_v, cl_v, sem):
    cid = lax.axis_index("c")
    sid = lax.axis_index("s")

    @pl.when((cid == 0) & (sid == 0))
    def _():
        pltpu.sync_copy(minidx_hbm, idx_v)
        for k in range(2):
            sl = pl.ds(16 * k, 16)
            w = idx_v[sl] * 4 + 3
            rid_v[sl] = lax.shift_right_logical(w, 7)
            pos_v[sl] = lax.bitwise_and(w, 127)
            base_v[sl] = lax.bitwise_and(idx_v[sl] * 4, 127)
        pltpu.async_copy(out_rows_ref.at[rid_v], buf_v, sem).wait()
        for c in range(3):
            for k in range(2):
                sl = pl.ds(16 * k, 16)
                rows16 = lax.iota(jnp.int32, 16) + 16 * k
                vals = plsc.load_gather(buf_v, [rows16, base_v[sl] + c])
                plsc.store_scatter(cl_v, [rows16, jnp.full((16,), c, jnp.int32)],
                                   vals)
        pltpu.sync_copy(cl_v, closest_hbm)
        ones16 = jnp.full((16,), 1.0, jnp.float32)
        for j in range(32):
            j16 = jnp.full((16,), j, jnp.int32)
            rj = plsc.load_gather(rid_v, [j16])
            for k in range(2):
                sl = pl.ds(16 * k, 16)
                m = rid_v[sl] == rj
                plsc.store_scatter(buf_v, [j16, pos_v[sl]], ones16, mask=m)
        pltpu.async_copy(buf_v, out_rows_ref.at[rid_v], sem).wait()


@functools.cache
def _sc_finale():
    return pl.kernel(
        _sc_finale_body,
        out_type=jax.ShapeDtypeStruct((32, 3), jnp.float32),
        mesh=plsc.VectorSubcoreMesh(core_axis_name="c", subcore_axis_name="s"),
        scratch_types=[
            pltpu.VMEM((32,), jnp.int32),
            pltpu.VMEM((32,), jnp.int32),
            pltpu.VMEM((32,), jnp.int32),
            pltpu.VMEM((32,), jnp.int32),
            pltpu.VMEM((32, 128), jnp.float32),
            pltpu.VMEM((32, 3), jnp.float32),
            pltpu.SemaphoreType.DMA,
        ],
        compiler_params=pltpu.CompilerParams(needs_layout_passes=False),
    )


@jax.jit
def kernel(mesh_3D, receiver_pos):
    mesh_flat = mesh_3D.reshape(-1, 3)
    n = mesh_flat.shape[0]
    xv = mesh_flat[:, 0].reshape(n // 1000, 1000)
    yv = mesh_flat[:, 1].reshape(n // 1000, 1000)
    zv = mesh_flat[:, 2].reshape(n // 1000, 1000)

    idx_pad = _tc_main(xv, yv, zv, receiver_pos, n)
    minidx = idx_pad[:, 0]
    out0 = jnp.pad(mesh_flat.reshape(n // 32, 32, 3),
                   ((0, 0), (0, 0), (0, 1)))

    out_ref = jax.new_ref(out0.reshape(n * 4 // 128, 128))
    closest = _sc_finale()(minidx, out_ref)
    return out_ref[...].reshape(n, 4), closest

# --- scband reference (transcript-rebuilt; emitter-appended) ---
"""Pipeline reference for scband-one-hot-encoding-1778116460548 (READ-ONLY COPY).

The authoritative reference and input builder live on the scoring server;
editing this copy changes nothing except your own understanding.
"""

import jax, jax.numpy as jnp
import numpy as np

def setup_inputs(seed: int = 0) -> dict:
    key = jax.random.key(seed)
    k1, k2 = jax.random.split(key)
    mesh_3D = jax.random.uniform(k1, (100, 100, 100, 3), dtype=jnp.float32)
    receiver_pos = jax.random.uniform(k2, (32, 3), dtype=jnp.float32)
    return {"mesh_3D": mesh_3D, "receiver_pos": receiver_pos}

def reference(mesh_3D, receiver_pos):
    X_flat = mesh_3D[..., 0].reshape(-1, 1)
    Y_flat = mesh_3D[..., 1].reshape(-1, 1)
    Z_flat = mesh_3D[..., 2].reshape(-1, 1)
    Xf = X_flat[:, 0]
    Yf = Y_flat[:, 0]
    Zf = Z_flat[:, 0]
    # distances for all receivers at once: [L, B] (same math as the per-receiver loop)
    distances = jnp.sqrt(
        (Xf[:, None] - receiver_pos[None, :, 0]) ** 2
        + (Yf[:, None] - receiver_pos[None, :, 1]) ** 2
        + (Zf[:, None] - receiver_pos[None, :, 2]) ** 2
    )
    min_index = jnp.argmin(distances, axis=0)  # [B]
    one_hot_encoding = jnp.zeros_like(X_flat).at[min_index, 0].set(1.0)
    closest_points = jnp.stack([Xf[min_index], Yf[min_index], Zf[min_index]], axis=1)
    input_tensor = jnp.concatenate((X_flat, Y_flat, Z_flat, one_hot_encoding), axis=1)
    return (input_tensor, closest_points)

if __name__ == "__main__":
    import jax
    _d = setup_inputs()
    print(jax.jit(kernel)(*tuple(_d.values())))

</pallas_src>

<mosaic_0001>
#map = affine_map<(d0, d1) -> (0)>
#map1 = affine_map<(d0, d1) -> (0, 0)>
module attributes {stable_mosaic.version = 14 : i64} {
  func.func @new_body(%arg0: i32, %arg1: i32, %arg2: memref<32xi32, #tpu.memory_space<hbm>>, %arg3: memref<31250x128xf32, #tpu.memory_space<hbm>>, %arg4: memref<32x3xf32, #tpu.memory_space<hbm>>, %arg5: memref<31250x128xf32, #tpu.memory_space<hbm>>, %arg6: memref<32xi32, #tpu.memory_space<vmem>>, %arg7: memref<32xi32, #tpu.memory_space<vmem>>, %arg8: memref<32xi32, #tpu.memory_space<vmem>>, %arg9: memref<32xi32, #tpu.memory_space<vmem>>, %arg10: memref<32x128xf32, #tpu.memory_space<vmem>>, %arg11: memref<32x3xf32, #tpu.memory_space<vmem>>, %arg12: memref<!tpu.dma_semaphore, #tpu.memory_space<semaphore_mem>>) attributes {dimension_semantics = [#tpu.dimension_semantics<core_parallel>, #tpu.dimension_semantics<subcore_parallel>], iteration_bounds = array<i64: 2, 16>, scalar_prefetch = 0 : i64, scratch_operands = 7 : i64, tpu.core_type = #tpu.core_type<sc_vector_subcore>, window_params = [{transform_indices = #map}, {transform_indices = #map1}, {transform_indices = #map1}, {transform_indices = #map1}]} {
    %eq3A = arith.constant 0 : i32
    %eq3A_0 = arith.cmpi eq, %arg0, %eq3A : i32
    %eq3A_1 = arith.constant 0 : i32
    %eq3A_2 = arith.cmpi eq, %arg1, %eq3A_1 : i32
    %and3A = arith.andi %eq3A_0, %eq3A_2 : i1
    %convert_element_type3A = arith.extui %and3A : i1 to i32
    %cond3A = arith.constant 0 : i32
    %cond3A_3 = arith.cmpi ne, %convert_element_type3A, %cond3A : i32
    scf.if %cond3A_3 {
      "tpu.region"() ({
        %run_scoped3A = tpu.sem_alloc : memref<!tpu.dma_semaphore, #tpu.memory_space<semaphore_mem>>
        tpu.enqueue_dma source(%arg2 : memref<32xi32, #tpu.memory_space<hbm>>) target(%arg6 : memref<32xi32, #tpu.memory_space<vmem>>) target_semaphore(%run_scoped3A : memref<!tpu.dma_semaphore, #tpu.memory_space<semaphore_mem>>)
        tpu.wait_dma2 semaphore(%run_scoped3A : memref<!tpu.dma_semaphore, #tpu.memory_space<semaphore_mem>>) src(%arg2 : memref<32xi32, #tpu.memory_space<hbm>>) dst(%arg6 : memref<32xi32, #tpu.memory_space<vmem>>)
        tpu.yield
      }) : () -> ()
      %get3A = arith.constant 0 : index
      %get3A_4 = tpu.vector_load %arg6[%get3A] {strides = array<i32>} : memref<32xi32, #tpu.memory_space<vmem>>, vector<16xi32>,
      %mul3A = arith.constant 4 : i32
      %mul3A_5 = vector.broadcast %mul3A : i32 to vector<16xi32>
      %mul3A_6 = arith.muli %get3A_4, %mul3A_5 : vector<16xi32>
      %add3A = arith.constant 3 : i32
      %add3A_7 = vector.broadcast %add3A : i32 to vector<16xi32>
      %add3A_8 = arith.addi %mul3A_6, %add3A_7 : vector<16xi32>
      %shift_right_logical3A = arith.constant 7 : i32
      %shift_right_logical3A_9 = vector.broadcast %shift_right_logical3A : i32 to vector<16xi32>
      %shift_right_logical3A_10 = arith.shrui %add3A_8, %shift_right_logical3A_9 : vector<16xi32>
      %swap3A = arith.constant 0 : index
      %swap3A_11 = tpu.vector_load %arg7[%swap3A] {strides = array<i32>} : memref<32xi32, #tpu.memory_space<vmem>>, vector<16xi32>,
      tpu.vector_store %arg7[%swap3A], %shift_right_logical3A_10 {strides = array<i32>} : memref<32xi32, #tpu.memory_space<vmem>>, vector<16xi32>,
      %and3A_12 = arith.constant 127 : i32
      %and3A_13 = vector.broadcast %and3A_12 : i32 to vector<16xi32>
      %and3A_14 = arith.andi %add3A_8, %and3A_13 : vector<16xi32>
      %swap3A_15 = arith.constant 0 : index
      %swap3A_16 = tpu.vector_load %arg8[%swap3A_15] {strides = array<i32>} : memref<32xi32, #tpu.memory_space<vmem>>, vector<16xi32>,
      tpu.vector_store %arg8[%swap3A_15], %and3A_14 {strides = array<i32>} : memref<32xi32, #tpu.memory_space<vmem>>, vector<16xi32>,
      %get3A_17 = arith.constant 0 : index
      %get3A_18 = tpu.vector_load %arg6[%get3A_17] {strides = array<i32>} : memref<32xi32, #tpu.memory_space<vmem>>, vector<16xi32>,
      %mul3A_19 = arith.constant 4 : i32
      %mul3A_20 = vector.broadcast %mul3A_19 : i32 to vector<16xi32>
      %mul3A_21 = arith.muli %get3A_18, %mul3A_20 : vector<16xi32>
      %and3A_22 = arith.constant 127 : i32
      %and3A_23 = vector.broadcast %and3A_22 : i32 to vector<16xi32>
      %and3A_24 = arith.andi %mul3A_21, %and3A_23 : vector<16xi32>
      %swap3A_25 = arith.constant 0 : index
      %swap3A_26 = tpu.vector_load %arg9[%swap3A_25] {strides = array<i32>} : memref<32xi32, #tpu.memory_space<vmem>>, vector<16xi32>,
      tpu.vector_store %arg9[%swap3A_25], %and3A_24 {strides = array<i32>} : memref<32xi32, #tpu.memory_space<vmem>>, vector<16xi32>,
      %get3A_27 = arith.constant 16 : index
      %get3A_28 = tpu.vector_load %arg6[%get3A_27] {strides = array<i32>} : memref<32xi32, #tpu.memory_space<vmem>>, vector<16xi32>,
      %mul3A_29 = arith.constant 4 : i32
      %mul3A_30 = vector.broadcast %mul3A_29 : i32 to vector<16xi32>
      %mul3A_31 = arith.muli %get3A_28, %mul3A_30 : vector<16xi32>
      %add3A_32 = arith.constant 3 : i32
      %add3A_33 = vector.broadcast %add3A_32 : i32 to vector<16xi32>
      %add3A_34 = arith.addi %mul3A_31, %add3A_33 : vector<16xi32>
      %shift_right_logical3A_35 = arith.constant 7 : i32
      %shift_right_logical3A_36 = vector.broadcast %shift_right_logical3A_35 : i32 to vector<16xi32>
      %shift_right_logical3A_37 = arith.shrui %add3A_34, %shift_right_logical3A_36 : vector<16xi32>
      %swap3A_38 = arith.constant 16 : index
      %swap3A_39 = tpu.vector_load %arg7[%swap3A_38] {strides = array<i32>} : memref<32xi32, #tpu.memory_space<vmem>>, vector<16xi32>,
      tpu.vector_store %arg7[%swap3A_38], %shift_right_logical3A_37 {strides = array<i32>} : memref<32xi32, #tpu.memory_space<vmem>>, vector<16xi32>,
      %and3A_40 = arith.constant 127 : i32
      %and3A_41 = vector.broadcast %and3A_40 : i32 to vector<16xi32>
      %and3A_42 = arith.andi %add3A_34, %and3A_41 : vector<16xi32>
      %swap3A_43 = arith.constant 16 : index
      %swap3A_44 = tpu.vector_load %arg8[%swap3A_43] {strides = array<i32>} : memref<32xi32, #tpu.memory_space<vmem>>, vector<16xi32>,
      tpu.vector_store %arg8[%swap3A_43], %and3A_42 {strides = array<i32>} : memref<32xi32, #tpu.memory_space<vmem>>, vector<16xi32>,
      %get3A_45 = arith.constant 16 : index
      %get3A_46 = tpu.vector_load %arg6[%get3A_45] {strides = array<i32>} : memref<32xi32, #tpu.memory_space<vmem>>, vector<16xi32>,
      %mul3A_47 = arith.constant 4 : i32
      %mul3A_48 = vector.broadcast %mul3A_47 : i32 to vector<16xi32>
      %mul3A_49 = arith.muli %get3A_46, %mul3A_48 : vector<16xi32>
      %and3A_50 = arith.constant 127 : i32
      %and3A_51 = vector.broadcast %and3A_50 : i32 to vector<16xi32>
      %and3A_52 = arith.andi %mul3A_49, %and3A_51 : vector<16xi32>
      %swap3A_53 = arith.constant 16 : index
      %swap3A_54 = tpu.vector_load %arg9[%swap3A_53] {strides = array<i32>} : memref<32xi32, #tpu.memory_space<vmem>>, vector<16xi32>,
      tpu.vector_store %arg9[%swap3A_53], %and3A_52 {strides = array<i32>} : memref<32xi32, #tpu.memory_space<vmem>>, vector<16xi32>,
      %dma_start3A = arith.constant 0 : i32
      %dma_start3A_55 = arith.constant 0 : i32
      %dma_start3A_56 = tpu.memref_slice %arg3[%dma_start3A, %dma_start3A_55] : memref<31250x128xf32, #tpu.memory_space<hbm>> -> memref<31250x128xf32, #tpu.memory_space<hbm>>
      tpu.enqueue_indirect_dma source(%dma_start3A_56 : memref<31250x128xf32, #tpu.memory_space<hbm>>) target(%arg10 : memref<32x128xf32, #tpu.memory_space<vmem>>) offsets(%arg7 : memref<32xi32, #tpu.memory_space<vmem>>) semaphore(%arg12 : memref<!tpu.dma_semaphore, #tpu.memory_space<semaphore_mem>>)
      %dma_wait3A = arith.constant 0 : i32
      %dma_wait3A_57 = arith.constant 0 : i32
      %dma_wait3A_58 = tpu.memref_slice %arg3[%dma_wait3A, %dma_wait3A_57] : memref<31250x128xf32, #tpu.memory_space<hbm>> -> memref<31250x128xf32, #tpu.memory_space<hbm>>
      tpu.wait_indirect_dma semaphore(%arg12 : memref<!tpu.dma_semaphore, #tpu.memory_space<semaphore_mem>>) src(%dma_wait3A_58 : memref<31250x128xf32, #tpu.memory_space<hbm>>) dst(%arg10 : memref<32x128xf32, #tpu.memory_space<vmem>>)
      %iota3A = tpu.iota {dimensions = array<i32: 0>} : vector<16xi32>
      %add3A_59 = arith.constant 0 : i32
      %add3A_60 = vector.broadcast %add3A_59 : i32 to vector<16xi32>
      %add3A_61 = arith.addi %iota3A, %add3A_60 : vector<16xi32>
      %get3A_62 = arith.constant 0 : index
      %get3A_63 = tpu.vector_load %arg9[%get3A_62] {strides = array<i32>} : memref<32xi32, #tpu.memory_space<vmem>>, vector<16xi32>,
      %add3A_64 = arith.constant 0 : i32
      %add3A_65 = vector.broadcast %add3A_64 : i32 to vector<16xi32>
      %add3A_66 = arith.addi %get3A_63, %add3A_65 : vector<16xi32>
      %gather3A = tpu.vector_load_idx %arg10[%add3A_61, %add3A_66] : memref<32x128xf32, #tpu.memory_space<vmem>>[vector<16xi32>, vector<16xi32>], vector<16xf32>,
      %broadcast_in_dim3A = arith.constant 0 : i32
      %broadcast_in_dim3A_67 = vector.broadcast %broadcast_in_dim3A : i32 to vector<16xi32>
      tpu.vector_store_idx %arg11[%add3A_61, %broadcast_in_dim3A_67], %gather3A : memref<32x3xf32, #tpu.memory_space<vmem>>[vector<16xi32>, vector<16xi32>], vector<16xf32>,
      %iota3A_68 = tpu.iota {dimensions = array<i32: 0>} : vector<16xi32>
      %add3A_69 = arith.constant 16 : i32
      %add3A_70 = vector.broadcast %add3A_69 : i32 to vector<16xi32>
      %add3A_71 = arith.addi %iota3A_68, %add3A_70 : vector<16xi32>
      %get3A_72 = arith.constant 16 : index
      %get3A_73 = tpu.vector_load %arg9[%get3A_72] {strides = array<i32>} : memref<32xi32, #tpu.memory_space<vmem>>, vector<16xi32>,
      %add3A_74 = arith.constant 0 : i32
      %add3A_75 = vector.broadcast %add3A_74 : i32 to vector<16xi32>
      %add3A_76 = arith.addi %get3A_73, %add3A_75 : vector<16xi32>
      %gather3A_77 = tpu.vector_load_idx %arg10[%add3A_71, %add3A_76] : memref<32x128xf32, #tpu.memory_space<vmem>>[vector<16xi32>, vector<16xi32>], vector<16xf32>,
      %broadcast_in_dim3A_78 = arith.constant 0 : i32
      %broadcast_in_dim3A_79 = vector.broadcast %broadcast_in_dim3A_78 : i32 to vector<16xi32>
      tpu.vector_store_idx %arg11[%add3A_71, %broadcast_in_dim3A_79], %gather3A_77 : memref<32x3xf32, #tpu.memory_space<vmem>>[vector<16xi32>, vector<16xi32>], vector<16xf32>,
      %iota3A_80 = tpu.iota {dimensions = array<i32: 0>} : vector<16xi32>
      %add3A_81 = arith.constant 0 : i32
      %add3A_82 = vector.broadcast %add3A_81 : i32 to vector<16xi32>
      %add3A_83 = arith.addi %iota3A_80, %add3A_82 : vector<16xi32>
      %get3A_84 = arith.constant 0 : index
      %get3A_85 = tpu.vector_load %arg9[%get3A_84] {strides = array<i32>} : memref<32xi32, #tpu.memory_space<vmem>>, vector<16xi32>,
      %add3A_86 = arith.constant 1 : i32
      %add3A_87 = vector.broadcast %add3A_86 : i32 to vector<16xi32>
      %add3A_88 = arith.addi %get3A_85, %add3A_87 : vector<16xi32>
      %gather3A_89 = tpu.vector_load_idx %arg10[%add3A_83, %add3A_88] : memref<32x128xf32, #tpu.memory_space<vmem>>[vector<16xi32>, vector<16xi32>], vector<16xf32>,
      %broadcast_in_dim3A_90 = arith.constant 1 : i32
      %broadcast_in_dim3A_91 = vector.broadcast %broadcast_in_dim3A_90 : i32 to vector<16xi32>
      tpu.vector_store_idx %arg11[%add3A_83, %broadcast_in_dim3A_91], %gather3A_89 : memref<32x3xf32, #tpu.memory_space<vmem>>[vector<16xi32>, vector<16xi32>], vector<16xf32>,
      %iota3A_92 = tpu.iota {dimensions = array<i32: 0>} : vector<16xi32>
      %add3A_93 = arith.constant 16 : i32
      %add3A_94 = vector.broadcast %add3A_93 : i32 to vector<16xi32>
      %add3A_95 = arith.addi %iota3A_92, %add3A_94 : vector<16xi32>
      %get3A_96 = arith.constant 16 : index
      %get3A_97 = tpu.vector_load %arg9[%get3A_96] {strides = array<i32>} : memref<32xi32, #tpu.memory_space<vmem>>, vector<16xi32>,
      %add3A_98 = arith.constant 1 : i32
      %add3A_99 = vector.broadcast %add3A_98 : i32 to vector<16xi32>
      %add3A_100 = arith.addi %get3A_97, %add3A_99 : vector<16xi32>
      %gather3A_101 = tpu.vector_load_idx %arg10[%add3A_95, %add3A_100] : memref<32x128xf32, #tpu.memory_space<vmem>>[vector<16xi32>, vector<16xi32>], vector<16xf32>,
      %broadcast_in_dim3A_102 = arith.constant 1 : i32
      %broadcast_in_dim3A_103 = vector.broadcast %broadcast_in_dim3A_102 : i32 to vector<16xi32>
      tpu.vector_store_idx %arg11[%add3A_95, %broadcast_in_dim3A_103], %gather3A_101 : memref<32x3xf32, #tpu.memory_space<vmem>>[vector<16xi32>, vector<16xi32>], vector<16xf32>,
      %iota3A_104 = tpu.iota {dimensions = array<i32: 0>} : vector<16xi32>
      %add3A_105 = arith.constant 0 : i32
      %add3A_106 = vector.broadcast %add3A_105 : i32 to vector<16xi32>
      %add3A_107 = arith.addi %iota3A_104, %add3A_106 : vector<16xi32>
      %get3A_108 = arith.constant 0 : index
      %get3A_109 = tpu.vector_load %arg9[%get3A_108] {strides = array<i32>} : memref<32xi32, #tpu.memory_space<vmem>>, vector<16xi32>,
      %add3A_110 = arith.constant 2 : i32
      %add3A_111 = vector.broadcast %add3A_110 : i32 to vector<16xi32>
      %add3A_112 = arith.addi %get3A_109, %add3A_111 : vector<16xi32>
      %gather3A_113 = tpu.vector_load_idx %arg10[%add3A_107, %add3A_112] : memref<32x128xf32, #tpu.memory_space<vmem>>[vector<16xi32>, vector<16xi32>], vector<16xf32>,
      %broadcast_in_dim3A_114 = arith.constant 2 : i32
      %broadcast_in_dim3A_115 = vector.broadcast %broadcast_in_dim3A_114 : i32 to vector<16xi32>
      tpu.vector_store_idx %arg11[%add3A_107, %broadcast_in_dim3A_115], %gather3A_113 : memref<32x3xf32, #tpu.memory_space<vmem>>[vector<16xi32>, vector<16xi32>], vector<16xf32>,
      %iota3A_116 = tpu.iota {dimensions = array<i32: 0>} : vector<16xi32>
      %add3A_117 = arith.constant 16 : i32
      %add3A_118 = vector.broadcast %add3A_117 : i32 to vector<16xi32>
      %add3A_119 = arith.addi %iota3A_116, %add3A_118 : vector<16xi32>
      %get3A_120 = arith.constant 16 : index
      %get3A_121 = tpu.vector_load %arg9[%get3A_120] {strides = array<i32>} : memref<32xi32, #tpu.memory_space<vmem>>, vector<16xi32>,
      %add3A_122 = arith.constant 2 : i32
      %add3A_123 = vector.broadcast %add3A_122 : i32 to vector<16xi32>
      %add3A_124 = arith.addi %get3A_121, %add3A_123 : vector<16xi32>
      %gather3A_125 = tpu.vector_load_idx %arg10[%add3A_119, %add3A_124] : memref<32x128xf32, #tpu.memory_space<vmem>>[vector<16xi32>, vector<16xi32>], vector<16xf32>,
      %broadcast_in_dim3A_126 = arith.constant 2 : i32
      %broadcast_in_dim3A_127 = vector.broadcast %broadcast_in_dim3A_126 : i32 to vector<16xi32>
      tpu.vector_store_idx %arg11[%add3A_119, %broadcast_in_dim3A_127], %gather3A_125 : memref<32x3xf32, #tpu.memory_space<vmem>>[vector<16xi32>, vector<16xi32>], vector<16xf32>,
      "tpu.region"() ({
        %run_scoped3A = tpu.sem_alloc : memref<!tpu.dma_semaphore, #tpu.memory_space<semaphore_mem>>
        tpu.enqueue_dma source(%arg11 : memref<32x3xf32, #tpu.memory_space<vmem>>) target(%arg4 : memref<32x3xf32, #tpu.memory_space<hbm>>) target_semaphore(%run_scoped3A : memref<!tpu.dma_semaphore, #tpu.memory_space<semaphore_mem>>)
        tpu.wait_dma2 semaphore(%run_scoped3A : memref<!tpu.dma_semaphore, #tpu.memory_space<semaphore_mem>>) src(%arg11 : memref<32x3xf32, #tpu.memory_space<vmem>>) dst(%arg4 : memref<32x3xf32, #tpu.memory_space<hbm>>)
        tpu.yield
      }) : () -> ()
      %broadcast_in_dim3A_128 = arith.constant 1.000000e+00 : f32
      %broadcast_in_dim3A_129 = vector.broadcast %broadcast_in_dim3A_128 : f32 to vector<16xf32>
      %broadcast_in_dim3A_130 = arith.constant 0 : i32
      %broadcast_in_dim3A_131 = vector.broadcast %broadcast_in_dim3A_130 : i32 to vector<16xi32>
      %gather3A_132 = tpu.vector_load_idx %arg7[%broadcast_in_dim3A_131] : memref<32xi32, #tpu.memory_space<vmem>>[vector<16xi32>], vector<16xi32>,
      %get3A_133 = arith.constant 0 : index
      %get3A_134 = tpu.vector_load %arg7[%get3A_133] {strides = array<i32>} : memref<32xi32, #tpu.memory_space<vmem>>, vector<16xi32>,
      %eq3A_135 = arith.cmpi eq, %get3A_134, %gather3A_132 : vector<16xi32>
      %get3A_136 = arith.constant 0 : index
      %get3A_137 = tpu.vector_load %arg8[%get3A_136] {strides = array<i32>} : memref<32xi32, #tpu.memory_space<vmem>>, vector<16xi32>,
      tpu.vector_store_idx %arg10[%broadcast_in_dim3A_131, %get3A_137], %broadcast_in_dim3A_129 masked %eq3A_135 : memref<32x128xf32, #tpu.memory_space<vmem>>[vector<16xi32>, vector<16xi32>], vector<16xf32>, vector<16xi1>
      %get3A_138 = arith.constant 16 : index
      %get3A_139 = tpu.vector_load %arg7[%get3A_138] {strides = array<i32>} : memref<32xi32, #tpu.memory_space<vmem>>, vector<16xi32>,
      %eq3A_140 = arith.cmpi eq, %get3A_139, %gather3A_132 : vector<16xi32>
      %get3A_141 = arith.constant 16 : index
      %get3A_142 = tpu.vector_load %arg8[%get3A_141] {strides = array<i32>} : memref<32xi32, #tpu.memory_space<vmem>>, vector<16xi32>,
      tpu.vector_store_idx %arg10[%broadcast_in_dim3A_131, %get3A_142], %broadcast_in_dim3A_129 masked %eq3A_140 : memref<32x128xf32, #tpu.memory_space<vmem>>[vector<16xi32>, vector<16xi32>], vector<16xf32>, vector<16xi1>
      %broadcast_in_dim3A_143 = arith.constant 1 : i32
      %broadcast_in_dim3A_144 = vector.broadcast %broadcast_in_dim3A_143 : i32 to vector<16xi32>
      %gather3A_145 = tpu.vector_load_idx %arg7[%broadcast_in_dim3A_144] : memref<32xi32, #tpu.memory_space<vmem>>[vector<16xi32>], vector<16xi32>,
      %get3A_146 = arith.constant 0 : index
      %get3A_147 = tpu.vector_load %arg7[%get3A_146] {strides = array<i32>} : memref<32xi32, #tpu.memory_space<vmem>>, vector<16xi32>,
      %eq3A_148 = arith.cmpi eq, %get3A_147, %gather3A_145 : vector<16xi32>
      %get3A_149 = arith.constant 0 : index
      %get3A_150 = tpu.vector_load %arg8[%get3A_149] {strides = array<i32>} : memref<32xi32, #tpu.memory_space<vmem>>, vector<16xi32>,
      tpu.vector_store_idx %arg10[%broadcast_in_dim3A_144, %get3A_150], %broadcast_in_dim3A_129 masked %eq3A_148 : memref<32x128xf32, #tpu.memory_space<vmem>>[vector<16xi32>, vector<16xi32>], vector<16xf32>, vector<16xi1>
      %get3A_151 = arith.constant 16 : index
      %get3A_152 = tpu.vector_load %arg7[%get3A_151] {strides = array<i32>} : memref<32xi32, #tpu.memory_space<vmem>>, vector<16xi32>,
      %eq3A_153 = arith.cmpi eq, %get3A_152, %gather3A_145 : vector<16xi32>
      %get3A_154 = arith.constant 16 : index
      %get3A_155 = tpu.vector_load %arg8[%get3A_154] {strides = array<i32>} : memref<32xi32, #tpu.memory_space<vmem>>, vector<16xi32>,
      tpu.vector_store_idx %arg10[%broadcast_in_dim3A_144, %get3A_155], %broadcast_in_dim3A_129 masked %eq3A_153 : memref<32x128xf32, #tpu.memory_space<vmem>>[vector<16xi32>, vector<16xi32>], vector<16xf32>, vector<16xi1>
      %broadcast_in_dim3A_156 = arith.constant 2 : i32
      %broadcast_in_dim3A_157 = vector.broadcast %broadcast_in_dim3A_156 : i32 to vector<16xi32>
      %gather3A_158 = tpu.vector_load_idx %arg7[%broadcast_in_dim3A_157] : memref<32xi32, #tpu.memory_space<vmem>>[vector<16xi32>], vector<16xi32>,
      %get3A_159 = arith.constant 0 : index
      %get3A_160 = tpu.vector_load %arg7[%get3A_159] {strides = array<i32>} : memref<32xi32, #tpu.memory_space<vmem>>, vector<16xi32>,
      %eq3A_161 = arith.cmpi eq, %get3A_160, %gather3A_158 : vector<16xi32>
      %get3A_162 = arith.constant 0 : index
      %get3A_163 = tpu.vector_load %arg8[%get3A_162] {strides = array<i32>} : memref<32xi32, #tpu.memory_space<vmem>>, vector<16xi32>,
      tpu.vector_store_idx %arg10[%broadcast_in_dim3A_157, %get3A_163], %broadcast_in_dim3A_129 masked %eq3A_161 : memref<32x128xf32, #tpu.memory_space<vmem>>[vector<16xi32>, vector<16xi32>], vector<16xf32>, vector<16xi1>
      %get3A_164 = arith.constant 16 : index
      %get3A_165 = tpu.vector_load %arg7[%get3A_164] {strides = array<i32>} : memref<32xi32, #tpu.memory_space<vmem>>, vector<16xi32>,
      %eq3A_166 = arith.cmpi eq, %get3A_165, %gather3A_158 : vector<16xi32>
      %get3A_167 = arith.constant 16 : index
      %get3A_168 = tpu.vector_load %arg8[%get3A_167] {strides = array<i32>} : memref<32xi32, #tpu.memory_space<vmem>>, vector<16xi32>,
      tpu.vector_store_idx %arg10[%broadcast_in_dim3A_157, %get3A_168], %broadcast_in_dim3A_129 masked %eq3A_166 : memref<32x128xf32, #tpu.memory_space<vmem>>[vector<16xi32>, vector<16xi32>], vector<16xf32>, vector<16xi1>
      %broadcast_in_dim3A_169 = arith.constant 3 : i32
      %broadcast_in_dim3A_170 = vector.broadcast %broadcast_in_dim3A_169 : i32 to vector<16xi32>
      %gather3A_171 = tpu.vector_load_idx %arg7[%broadcast_in_dim3A_170] : memref<32xi32, #tpu.memory_space<vmem>>[vector<16xi32>], vector<16xi32>,
      %get3A_172 = arith.constant 0 : index
      %get3A_173 = tpu.vector_load %arg7[%get3A_172] {strides = array<i32>} : memref<32xi32, #tpu.memory_space<vmem>>, vector<16xi32>,
      %eq3A_174 = arith.cmpi eq, %get3A_173, %gather3A_171 : vector<16xi32>
      %get3A_175 = arith.constant 0 : index
      %get3A_176 = tpu.vector_load %arg8[%get3A_175] {strides = array<i32>} : memref<32xi32, #tpu.memory_space<vmem>>, vector<16xi32>,
      tpu.vector_store_idx %arg10[%broadcast_in_dim3A_170, %get3A_176], %broadcast_in_dim3A_129 masked %eq3A_174 : memref<32x128xf32, #tpu.memory_space<vmem>>[vector<16xi32>, vector<16xi32>], vector<16xf32>, vector<16xi1>
      %get3A_177 = arith.constant 16 : index
      %get3A_178 = tpu.vector_load %arg7[%get3A_177] {strides = array<i32>} : memref<32xi32, #tpu.memory_space<vmem>>, vector<16xi32>,
      %eq3A_179 = arith.cmpi eq, %get3A_178, %gather3A_171 : vector<16xi32>
      %get3A_180 = arith.constant 16 : index
      %get3A_181 = tpu.vector_load %arg8[%get3A_180] {strides = array<i32>} : memref<32xi32, #tpu.memory_space<vmem>>, vector<16xi32>,
      tpu.vector_store_idx %arg10[%broadcast_in_dim3A_170, %get3A_181], %broadcast_in_dim3A_129 masked %eq3A_179 : memref<32x128xf32, #tpu.memory_space<vmem>>[vector<16xi32>, vector<16xi32>], vector<16xf32>, vector<16xi1>
      %broadcast_in_dim3A_182 = arith.constant 4 : i32
      %broadcast_in_dim3A_183 = vector.broadcast %broadcast_in_dim3A_182 : i32 to vector<16xi32>
      %gather3A_184 = tpu.vector_load_idx %arg7[%broadcast_in_dim3A_183] : memref<32xi32, #tpu.memory_space<vmem>>[vector<16xi32>], vector<16xi32>,
      %get3A_185 = arith.constant 0 : index
      %get3A_186 = tpu.vector_load %arg7[%get3A_185] {strides = array<i32>} : memref<32xi32, #tpu.memory_space<vmem>>, vector<16xi32>,
      %eq3A_187 = arith.cmpi eq, %get3A_186, %gather3A_184 : vector<16xi32>
      %get3A_188 = arith.constant 0 : index
      %get3A_189 = tpu.vector_load %arg8[%get3A_188] {strides = array<i32>} : memref<32xi32, #tpu.memory_space<vmem>>, vector<16xi32>,
      tpu.vector_store_idx %arg10[%broadcast_in_dim3A_183, %get3A_189], %broadcast_in_dim3A_129 masked %eq3A_187 : memref<32x128xf32, #tpu.memory_space<vmem>>[vector<16xi32>, vector<16xi32>], vector<16xf32>, vector<16xi1>
      %get3A_190 = arith.constant 16 : index
      %get3A_191 = tpu.vector_load %arg7[%get3A_190] {strides = array<i32>} : memref<32xi32, #tpu.memory_space<vmem>>, vector<16xi32>,
      %eq3A_192 = arith.cmpi eq, %get3A_191, %gather3A_184 : vector<16xi32>
      %get3A_193 = arith.constant 16 : index
      %get3A_194 = tpu.vector_load %arg8[%get3A_193] {strides = array<i32>} : memref<32xi32, #tpu.memory_space<vmem>>, vector<16xi32>,
      tpu.vector_store_idx %arg10[%broadcast_in_dim3A_183, %get3A_194], %broadcast_in_dim3A_129 masked %eq3A_192 : memref<32x128xf32, #tpu.memory_space<vmem>>[vector<16xi32>, vector<16xi32>], vector<16xf32>, vector<16xi1>
      %broadcast_in_dim3A_195 = arith.constant 5 : i32
      %broadcast_in_dim3A_196 = vector.broadcast %broadcast_in_dim3A_195 : i32 to vector<16xi32>
      %gather3A_197 = tpu.vector_load_idx %arg7[%broadcast_in_dim3A_196] : memref<32xi32, #tpu.memory_space<vmem>>[vector<16xi32>], vector<16xi32>,
      %get3A_198 = arith.constant 0 : index
      %get3A_199 = tpu.vector_load %arg7[%get3A_198] {strides = array<i32>} : memref<32xi32, #tpu.memory_space<vmem>>, vector<16xi32>,
      %eq3A_200 = arith.cmpi eq, %get3A_199, %gather3A_197 : vector<16xi32>
      %get3A_201 = arith.constant 0 : index
      %get3A_202 = tpu.vector_load %arg8[%get3A_201] {strides = array<i32>} : memref<32xi32, #tpu.memory_space<vmem>>, vector<16xi32>,
      tpu.vector_store_idx %arg10[%broadcast_in_dim3A_196, %get3A_202], %broadcast_in_dim3A_129 masked %eq3A_200 : memref<32x128xf32, #tpu.memory_space<vmem>>[vector<16xi32>, vector<16xi32>], vector<16xf32>, vector<16xi1>
      %get3A_203 = arith.constant 16 : index
      %get3A_204 = tpu.vector_load %arg7[%get3A_203] {strides = array<i32>} : memref<32xi32, #tpu.memory_space<vmem>>, vector<16xi32>,
      %eq3A_205 = arith.cmpi eq, %get3A_204, %gather3A_197 : vector<16xi32>
      %get3A_206 = arith.constant 16 : index
      %get3A_207 = tpu.vector_load %arg8[%get3A_206] {strides = array<i32>} : memref<32xi32, #tpu.memory_space<vmem>>, vector<16xi32>,
      tpu.vector_store_idx %arg10[%broadcast_in_dim3A_196, %get3A_207], %broadcast_in_dim3A_129 masked %eq3A_205 : memref<32x128xf32, #tpu.memory_space<vmem>>[vector<16xi32>, vector<16xi32>], vector<16xf32>, vector<16xi1>
      %broadcast_in_dim3A_208 = arith.constant 6 : i32
      %broadcast_in_dim3A_209 = vector.broadcast %broadcast_in_dim3A_208 : i32 to vector<16xi32>
      %gather3A_210 = tpu.vector_load_idx %arg7[%broadcast_in_dim3A_209] : memref<32xi32, #tpu.memory_space<vmem>>[vector<16xi32>], vector<16xi32>,
      %get3A_211 = arith.constant 0 : index
      %get3A_212 = tpu.vector_load %arg7[%get3A_211] {strides = array<i32>} : memref<32xi32, #tpu.memory_space<vmem>>, vector<16xi32>,
      %eq3A_213 = arith.cmpi eq, %get3A_212, %gather3A_210 : vector<16xi32>
      %get3A_214 = arith.constant 0 : index
      %get3A_215 = tpu.vector_load %arg8[%get3A_214] {strides = array<i32>} : memref<32xi32, #tpu.memory_space<vmem>>, vector<16xi32>,
      tpu.vector_store_idx %arg10[%broadcast_in_dim3A_209, %get3A_215], %broadcast_in_dim3A_129 masked %eq3A_213 : memref<32x128xf32, #tpu.memory_space<vmem>>[vector<16xi32>, vector<16xi32>], vector<16xf32>, vector<16xi1>
      %get3A_216 = arith.constant 16 : index
      %get3A_217 = tpu.vector_load %arg7[%get3A_216] {strides = array<i32>} : memref<32xi32, #tpu.memory_space<vmem>>, vector<16xi32>,
      %eq3A_218 = arith.cmpi eq, %get3A_217, %gather3A_210 : vector<16xi32>
      %get3A_219 = arith.constant 16 : index
      %get3A_220 = tpu.vector_load %arg8[%get3A_219] {strides = array<i32>} : memref<32xi32, #tpu.memory_space<vmem>>, vector<16xi32>,
      tpu.vector_store_idx %arg10[%broadcast_in_dim3A_209, %get3A_220], %broadcast_in_dim3A_129 masked %eq3A_218 : memref<32x128xf32, #tpu.memory_space<vmem>>[vector<16xi32>, vector<16xi32>], vector<16xf32>, vector<16xi1>
      %broadcast_in_dim3A_221 = arith.constant 7 : i32
      %broadcast_in_dim3A_222 = vector.broadcast %broadcast_in_dim3A_221 : i32 to vector<16xi32>
      %gather3A_223 = tpu.vector_load_idx %arg7[%broadcast_in_dim3A_222] : memref<32xi32, #tpu.memory_space<vmem>>[vector<16xi32>], vector<16xi32>,
      %get3A_224 = arith.constant 0 : index
      %get3A_225 = tpu.vector_load %arg7[%get3A_224] {strides = array<i32>} : memref<32xi32, #tpu.memory_space<vmem>>, vector<16xi32>,
      %eq3A_226 = arith.cmpi eq, %get3A_225, %gather3A_223 : vector<16xi32>
      %get3A_227 = arith.constant 0 : index
      %get3A_228 = tpu.vector_load %arg8[%get3A_227] {strides = array<i32>} : memref<32xi32, #tpu.memory_space<vmem>>, vector<16xi32>,
      tpu.vector_store_idx %arg10[%broadcast_in_dim3A_222, %get3A_228], %broadcast_in_dim3A_129 masked %eq3A_226 : memref<32x128xf32, #tpu.memory_space<vmem>>[vector<16xi32>, vector<16xi32>], vector<16xf32>, vector<16xi1>
      %get3A_229 = arith.constant 16 : index
      %get3A_230 = tpu.vector_load %arg7[%get3A_229] {strides = array<i32>} : memref<32xi32, #tpu.memory_space<vmem>>, vector<16xi32>,
      %eq3A_231 = arith.cmpi eq, %get3A_230, %gather3A_223 : vector<16xi32>
      %get3A_232 = arith.constant 16 : index
      %get3A_233 = tpu.vector_load %arg8[%get3A_232] {strides = array<i32>} : memref<32xi32, #tpu.memory_space<vmem>>, vector<16xi32>,
      tpu.vector_store_idx %arg10[%broadcast_in_dim3A_222, %get3A_233], %broadcast_in_dim3A_129 masked %eq3A_231 : memref<32x128xf32, #tpu.memory_space<vmem>>[vector<16xi32>, vector<16xi32>], vector<16xf32>, vector<16xi1>
      %broadcast_in_dim3A_234 = arith.constant 8 : i32
      %broadcast_in_dim3A_235 = vector.broadcast %broadcast_in_dim3A_234 : i32 to vector<16xi32>
      %gather3A_236 = tpu.vector_load_idx %arg7[%broadcast_in_dim3A_235] : memref<32xi32, #tpu.memory_space<vmem>>[vector<16xi32>], vector<16xi32>,
      %get3A_237 = arith.constant 0 : index
      %get3A_238 = tpu.vector_load %arg7[%get3A_237] {strides = array<i32>} : memref<32xi32, #tpu.memory_space<vmem>>, vector<16xi32>,
      %eq3A_239 = arith.cmpi eq, %get3A_238, %gather3A_236 : vector<16xi32>
      %get3A_240 = arith.constant 0 : index
      %get3A_241 = tpu.vector_load %arg8[%get3A_240] {strides = array<i32>} : memref<32xi32, #tpu.memory_space<vmem>>, vector<16xi32>,
      tpu.vector_store_idx %arg10[%broadcast_in_dim3A_235, %get3A_241], %broadcast_in_dim3A_129 masked %eq3A_239 : memref<32x128xf32, #tpu.memory_space<vmem>>[vector<16xi32>, vector<16xi32>], vector<16xf32>, vector<16xi1>
      %get3A_242 = arith.constant 16 : index
      %get3A_243 = tpu.vector_load %arg7[%get3A_242] {strides = array<i32>} : memref<32xi32, #tpu.memory_space<vmem>>, vector<16xi32>,
      %eq3A_244 = arith.cmpi eq, %get3A_243, %gather3A_236 : vector<16xi32>
      %get3A_245 = arith.constant 16 : index
      %get3A_246 = tpu.vector_load %arg8[%get3A_245] {strides = array<i32>} : memref<32xi32, #tpu.memory_space<vmem>>, vector<16xi32>,
      tpu.vector_store_idx %arg10[%broadcast_in_dim3A_235, %get3A_246], %broadcast_in_dim3A_129 masked %eq3A_244 : memref<32x128xf32, #tpu.memory_space<vmem>>[vector<16xi32>, vector<16xi32>], vector<16xf32>, vector<16xi1>
      %broadcast_in_dim3A_247 = arith.constant 9 : i32
      %broadcast_in_dim3A_248 = vector.broadcast %broadcast_in_dim3A_247 : i32 to vector<16xi32>
      %gather3A_249 = tpu.vector_load_idx %arg7[%broadcast_in_dim3A_248] : memref<32xi32, #tpu.memory_space<vmem>>[vector<16xi32>], vector<16xi32>,
      %get3A_250 = arith.constant 0 : index
      %get3A_251 = tpu.vector_load %arg7[%get3A_250] {strides = array<i32>} : memref<32xi32, #tpu.memory_space<vmem>>, vector<16xi32>,
      %eq3A_252 = arith.cmpi eq, %get3A_251, %gather3A_249 : vector<16xi32>
      %get3A_253 = arith.constant 0 : index
      %get3A_254 = tpu.vector_load %arg8[%get3A_253] {strides = array<i32>} : memref<32xi32, #tpu.memory_space<vmem>>, vector<16xi32>,
      tpu.vector_store_idx %arg10[%broadcast_in_dim3A_248, %get3A_254], %broadcast_in_dim3A_129 masked %eq3A_252 : memref<32x128xf32, #tpu.memory_space<vmem>>[vector<16xi32>, vector<16xi32>], vector<16xf32>, vector<16xi1>
      %get3A_255 = arith.constant 16 : index
      %get3A_256 = tpu.vector_load %arg7[%get3A_255] {strides = array<i32>} : memref<32xi32, #tpu.memory_space<vmem>>, vector<16xi32>,
      %eq3A_257 = arith.cmpi eq, %get3A_256, %gather3A_249 : vector<16xi32>
      %get3A_258 = arith.constant 16 : index
      %get3A_259 = tpu.vector_load %arg8[%get3A_258] {strides = array<i32>} : memref<32xi32, #tpu.memory_space<vmem>>, vector<16xi32>,
      tpu.vector_store_idx %arg10[%broadcast_in_dim3A_248, %get3A_259], %broadcast_in_dim3A_129 masked %eq3A_257 : memref<32x128xf32, #tpu.memory_space<vmem>>[vector<16xi32>, vector<16xi32>], vector<16xf32>, vector<16xi1>
      %broadcast_in_dim3A_260 = arith.constant 10 : i32
      %broadcast_in_dim3A_261 = vector.broadcast %broadcast_in_dim3A_260 : i32 to vector<16xi32>
      %gather3A_262 = tpu.vector_load_idx %arg7[%broadcast_in_dim3A_261] : memref<32xi32, #tpu.memory_space<vmem>>[vector<16xi32>], vector<16xi32>,
      %get3A_263 = arith.constant 0 : index
      %get3A_264 = tpu.vector_load %arg7[%get3A_263] {strides = array<i32>} : memref<32xi32, #tpu.memory_space<vmem>>, vector<16xi32>,
      %eq3A_265 = arith.cmpi eq, %get3A_264, %gather3A_262 : vector<16xi32>
      %get3A_266 = arith.constant 0 : index
      %get3A_267 = tpu.vector_load %arg8[%get3A_266] {strides = array<i32>} : memref<32xi32, #tpu.memory_space<vmem>>, vector<16xi32>,
      tpu.vector_store_idx %arg10[%broadcast_in_dim3A_261, %get3A_267], %broadcast_in_dim3A_129 masked %eq3A_265 : memref<32x128xf32, #tpu.memory_space<vmem>>[vector<16xi32>, vector<16xi32>], vector<16xf32>, vector<16xi1>
      %get3A_268 = arith.constant 16 : index
      %get3A_269 = tpu.vector_load %arg7[%get3A_268] {strides = array<i32>} : memref<32xi32, #tpu.memory_space<vmem>>, vector<16xi32>,
      %eq3A_270 = arith.cmpi eq, %get3A_269, %gather3A_262 : vector<16xi32>
      %get3A_271 = arith.constant 16 : index
      %get3A_272 = tpu.vector_load %arg8[%get3A_271] {strides = array<i32>} : memref<32xi32, #tpu.memory_space<vmem>>, vector<16xi32>,
      tpu.vector_store_idx %arg10[%broadcast_in_dim3A_261, %get3A_272], %broadcast_in_dim3A_129 masked %eq3A_270 : memref<32x128xf32, #tpu.memory_space<vmem>>[vector<16xi32>, vector<16xi32>], vector<16xf32>, vector<16xi1>
      %broadcast_in_dim3A_273 = arith.constant 11 : i32
      %broadcast_in_dim3A_274 = vector.broadcast %broadcast_in_dim3A_273 : i32 to vector<16xi32>
      %gather3A_275 = tpu.vector_load_idx %arg7[%broadcast_in_dim3A_274] : memref<32xi32, #tpu.memory_space<vmem>>[vector<16xi32>], vector<16xi32>,
      %get3A_276 = arith.constant 0 : index
      %get3A_277 = tpu.vector_load %arg7[%get3A_276] {strides = array<i32>} : memref<32xi32, #tpu.memory_space<vmem>>, vector<16xi32>,
      %eq3A_278 = arith.cmpi eq, %get3A_277, %gather3A_275 : vector<16xi32>
      %get3A_279 = arith.constant 0 : index
      %get3A_280 = tpu.vector_load %arg8[%get3A_279] {strides = array<i32>} : memref<32xi32, #tpu.memory_space<vmem>>, vector<16xi32>,
      tpu.vector_store_idx %arg10[%broadcast_in_dim3A_274, %get3A_280], %broadcast_in_dim3A_129 masked %eq3A_278 : memref<32x128xf32, #tpu.memory_space<vmem>>[vector<16xi32>, vector<16xi32>], vector<16xf32>, vector<16xi1>
      %get3A_281 = arith.constant 16 : index
      %get3A_282 = tpu.vector_load %arg7[%get3A_281] {strides = array<i32>} : memref<32xi32, #tpu.memory_space<vmem>>, vector<16xi32>,
      %eq3A_283 = arith.cmpi eq, %get3A_282, %gather3A_275 : vector<16xi32>
      %get3A_284 = arith.constant 16 : index
      %get3A_285 = tpu.vector_load %arg8[%get3A_284] {strides = array<i32>} : memref<32xi32, #tpu.memory_space<vmem>>, vector<16xi32>,
      tpu.vector_store_idx %arg10[%broadcast_in_dim3A_274, %get3A_285], %broadcast_in_dim3A_129 masked %eq3A_283 : memref<32x128xf32, #tpu.memory_space<vmem>>[vector<16xi32>, vector<16xi32>], vector<16xf32>, vector<16xi1>
      %broadcast_in_dim3A_286 = arith.constant 12 : i32
      %broadcast_in_dim3A_287 = vector.broadcast %broadcast_in_dim3A_286 : i32 to vector<16xi32>
      %gather3A_288 = tpu.vector_load_idx %arg7[%broadcast_in_dim3A_287] : memref<32xi32, #tpu.memory_space<vmem>>[vector<16xi32>], vector<16xi32>,
      %get3A_289 = arith.constant 0 : index
      %get3A_290 = tpu.vector_load %arg7[%get3A_289] {strides = array<i32>} : memref<32xi32, #tpu.memory_space<vmem>>, vector<16xi32>,
      %eq3A_291 = arith.cmpi eq, %get3A_290, %gather3A_288 : vector<16xi32>
      %get3A_292 = arith.constant 0 : index
      %get3A_293 = tpu.vector_load %arg8[%get3A_292] {strides = array<i32>} : memref<32xi32, #tpu.memory_space<vmem>>, vector<16xi32>,
      tpu.vector_store_idx %arg10[%broadcast_in_dim3A_287, %get3A_293], %broadcast_in_dim3A_129 masked %eq3A_291 : memref<32x128xf32, #tpu.memory_space<vmem>>[vector<16xi32>, vector<16xi32>], vector<16xf32>, vector<16xi1>
      %get3A_294 = arith.constant 16 : index
      %get3A_295 = tpu.vector_load %arg7[%get3A_294] {strides = array<i32>} : memref<32xi32, #tpu.memory_space<vmem>>, vector<16xi32>,
      %eq3A_296 = arith.cmpi eq, %get3A_295, %gather3A_288 : vector<16xi32>
      %get3A_297 = arith.constant 16 : index
      %get3A_298 = tpu.vector_load %arg8[%get3A_297] {strides = array<i32>} : memref<32xi32, #tpu.memory_space<vmem>>, vector<16xi32>,
      tpu.vector_store_idx %arg10[%broadcast_in_dim3A_287, %get3A_298], %broadcast_in_dim3A_129 masked %eq3A_296 : memref<32x128xf32, #tpu.memory_space<vmem>>[vector<16xi32>, vector<16xi32>], vector<16xf32>, vector<16xi1>
      %broadcast_in_dim3A_299 = arith.constant 13 : i32
      %broadcast_in_dim3A_300 = vector.broadcast %broadcast_in_dim3A_299 : i32 to vector<16xi32>
      %gather3A_301 = tpu.vector_load_idx %arg7[%broadcast_in_dim3A_300] : memref<32xi32, #tpu.memory_space<vmem>>[vector<16xi32>], vector<16xi32>,
      %get3A_302 = arith.constant 0 : index
      %get3A_303 = tpu.vector_load %arg7[%get3A_302] {strides = array<i32>} : memref<32xi32, #tpu.memory_space<vmem>>, vector<16xi32>,
      %eq3A_304 = arith.cmpi eq, %get3A_303, %gather3A_301 : vector<16xi32>
      %get3A_305 = arith.constant 0 : index
      %get3A_306 = tpu.vector_load %arg8[%get3A_305] {strides = array<i32>} : memref<32xi32, #tpu.memory_space<vmem>>, vector<16xi32>,
      tpu.vector_store_idx %arg10[%broadcast_in_dim3A_300, %get3A_306], %broadcast_in_dim3A_129 masked %eq3A_304 : memref<32x128xf32, #tpu.memory_space<vmem>>[vector<16xi32>, vector<16xi32>], vector<16xf32>, vector<16xi1>
      %get3A_307 = arith.constant 16 : index
      %get3A_308 = tpu.vector_load %arg7[%get3A_307] {strides = array<i32>} : memref<32xi32, #tpu.memory_space<vmem>>, vector<16xi32>,
      %eq3A_309 = arith.cmpi eq, %get3A_308, %gather3A_301 : vector<16xi32>
      %get3A_310 = arith.constant 16 : index
      %get3A_311 = tpu.vector_load %arg8[%get3A_310] {strides = array<i32>} : memref<32xi32, #tpu.memory_space<vmem>>, vector<16xi32>,
      tpu.vector_store_idx %arg10[%broadcast_in_dim3A_300, %get3A_311], %broadcast_in_dim3A_129 masked %eq3A_309 : memref<32x128xf32, #tpu.memory_space<vmem>>[vector<16xi32>, vector<16xi32>], vector<16xf32>, vector<16xi1>
      %broadcast_in_dim3A_312 = arith.constant 14 : i32
      %broadcast_in_dim3A_313 = vector.broadcast %broadcast_in_dim3A_312 : i32 to vector<16xi32>
      %gather3A_314 = tpu.vector_load_idx %arg7[%broadcast_in_dim3A_313] : memref<32xi32, #tpu.memory_space<vmem>>[vector<16xi32>], vector<16xi32>,
      %get3A_315 = arith.constant 0 : index
      %get3A_316 = tpu.vector_load %arg7[%get3A_315] {strides = array<i32>} : memref<32xi32, #tpu.memory_space<vmem>>, vector<16xi32>,
      %eq3A_317 = arith.cmpi eq, %get3A_316, %gather3A_314 : vector<16xi32>
      %get3A_318 = arith.constant 0 : index
      %get3A_319 = tpu.vector_load %arg8[%get3A_318] {strides = array<i32>} : memref<32xi32, #tpu.memory_space<vmem>>, vector<16xi32>,
      tpu.vector_store_idx %arg10[%broadcast_in_dim3A_313, %get3A_319], %broadcast_in_dim3A_129 masked %eq3A_317 : memref<32x128xf32, #tpu.memory_space<vmem>>[vector<16xi32>, vector<16xi32>], vector<16xf32>, vector<16xi1>
      %get3A_320 = arith.constant 16 : index
      %get3A_321 = tpu.vector_load %arg7[%get3A_320] {strides = array<i32>} : memref<32xi32, #tpu.memory_space<vmem>>, vector<16xi32>,
      %eq3A_322 = arith.cmpi eq, %get3A_321, %gather3A_314 : vector<16xi32>
      %get3A_323 = arith.constant 16 : index
      %get3A_324 = tpu.vector_load %arg8[%get3A_323] {strides = array<i32>} : memref<32xi32, #tpu.memory_space<vmem>>, vector<16xi32>,
      tpu.vector_store_idx %arg10[%broadcast_in_dim3A_313, %get3A_324], %broadcast_in_dim3A_129 masked %eq3A_322 : memref<32x128xf32, #tpu.memory_space<vmem>>[vector<16xi32>, vector<16xi32>], vector<16xf32>, vector<16xi1>
      %broadcast_in_dim3A_325 = arith.constant 15 : i32
      %broadcast_in_dim3A_326 = vector.broadcast %broadcast_in_dim3A_325 : i32 to vector<16xi32>
      %gather3A_327 = tpu.vector_load_idx %arg7[%broadcast_in_dim3A_326] : memref<32xi32, #tpu.memory_space<vmem>>[vector<16xi32>], vector<16xi32>,
      %get3A_328 = arith.constant 0 : index
      %get3A_329 = tpu.vector_load %arg7[%get3A_328] {strides = array<i32>} : memref<32xi32, #tpu.memory_space<vmem>>, vector<16xi32>,
      %eq3A_330 = arith.cmpi eq, %get3A_329, %gather3A_327 : vector<16xi32>
      %get3A_331 = arith.constant 0 : index
      %get3A_332 = tpu.vector_load %arg8[%get3A_331] {strides = array<i32>} : memref<32xi32, #tpu.memory_space<vmem>>, vector<16xi32>,
      tpu.vector_store_idx %arg10[%broadcast_in_dim3A_326, %get3A_332], %broadcast_in_dim3A_129 masked %eq3A_330 : memref<32x128xf32, #tpu.memory_space<vmem>>[vector<16xi32>, vector<16xi32>], vector<16xf32>, vector<16xi1>
      %get3A_333 = arith.constant 16 : index
      %get3A_334 = tpu.vector_load %arg7[%get3A_333] {strides = array<i32>} : memref<32xi32, #tpu.memory_space<vmem>>, vector<16xi32>,
      %eq3A_335 = arith.cmpi eq, %get3A_334, %gather3A_327 : vector<16xi32>
      %get3A_336 = arith.constant 16 : index
      %get3A_337 = tpu.vector_load %arg8[%get3A_336] {strides = array<i32>} : memref<32xi32, #tpu.memory_space<vmem>>, vector<16xi32>,
      tpu.vector_store_idx %arg10[%broadcast_in_dim3A_326, %get3A_337], %broadcast_in_dim3A_129 masked %eq3A_335 : memref<32x128xf32, #tpu.memory_space<vmem>>[vector<16xi32>, vector<16xi32>], vector<16xf32>, vector<16xi1>
      %broadcast_in_dim3A_338 = arith.constant 16 : i32
      %broadcast_in_dim3A_339 = vector.broadcast %broadcast_in_dim3A_338 : i32 to vector<16xi32>
      %gather3A_340 = tpu.vector_load_idx %arg7[%broadcast_in_dim3A_339] : memref<32xi32, #tpu.memory_space<vmem>>[vector<16xi32>], vector<16xi32>,
      %get3A_341 = arith.constant 0 : index
      %get3A_342 = tpu.vector_load %arg7[%get3A_341] {strides = array<i32>} : memref<32xi32, #tpu.memory_space<vmem>>, vector<16xi32>,
      %eq3A_343 = arith.cmpi eq, %get3A_342, %gather3A_340 : vector<16xi32>
      %get3A_344 = arith.constant 0 : index
      %get3A_345 = tpu.vector_load %arg8[%get3A_344] {strides = array<i32>} : memref<32xi32, #tpu.memory_space<vmem>>, vector<16xi32>,
      tpu.vector_store_idx %arg10[%broadcast_in_dim3A_339, %get3A_345], %broadcast_in_dim3A_129 masked %eq3A_343 : memref<32x128xf32, #tpu.memory_space<vmem>>[vector<16xi32>, vector<16xi32>], vector<16xf32>, vector<16xi1>
      %get3A_346 = arith.constant 16 : index
      %get3A_347 = tpu.vector_load %arg7[%get3A_346] {strides = array<i32>} : memref<32xi32, #tpu.memory_space<vmem>>, vector<16xi32>,
      %eq3A_348 = arith.cmpi eq, %get3A_347, %gather3A_340 : vector<16xi32>
      %get3A_349 = arith.constant 16 : index
      %get3A_350 = tpu.vector_load %arg8[%get3A_349] {strides = array<i32>} : memref<32xi32, #tpu.memory_space<vmem>>, vector<16xi32>,
      tpu.vector_store_idx %arg10[%broadcast_in_dim3A_339, %get3A_350], %broadcast_in_dim3A_129 masked %eq3A_348 : memref<32x128xf32, #tpu.memory_space<vmem>>[vector<16xi32>, vector<16xi32>], vector<16xf32>, vector<16xi1>
      %broadcast_in_dim3A_351 = arith.constant 17 : i32
      %broadcast_in_dim3A_352 = vector.broadcast %broadcast_in_dim3A_351 : i32 to vector<16xi32>
      %gather3A_353 = tpu.vector_load_idx %arg7[%broadcast_in_dim3A_352] : memref<32xi32, #tpu.memory_space<vmem>>[vector<16xi32>], vector<16xi32>,
      %get3A_354 = arith.constant 0 : index
      %get3A_355 = tpu.vector_load %arg7[%get3A_354] {strides = array<i32>} : memref<32xi32, #tpu.memory_space<vmem>>, vector<16xi32>,
      %eq3A_356 = arith.cmpi eq, %get3A_355, %gather3A_353 : vector<16xi32>
      %get3A_357 = arith.constant 0 : index
      %get3A_358 = tpu.vector_load %arg8[%get3A_357] {strides = array<i32>} : memref<32xi32, #tpu.memory_space<vmem>>, vector<16xi32>,
      tpu.vector_store_idx %arg10[%broadcast_in_dim3A_352, %get3A_358], %broadcast_in_dim3A_129 masked %eq3A_356 : memref<32x128xf32, #tpu.memory_space<vmem>>[vector<16xi32>, vector<16xi32>], vector<16xf32>, vector<16xi1>
      %get3A_359 = arith.constant 16 : index
      %get3A_360 = tpu.vector_load %arg7[%get3A_359] {strides = array<i32>} : memref<32xi32, #tpu.memory_space<vmem>>, vector<16xi32>,
      %eq3A_361 = arith.cmpi eq, %get3A_360, %gather3A_353 : vector<16xi32>
      %get3A_362 = arith.constant 16 : index
      %get3A_363 = tpu.vector_load %arg8[%get3A_362] {strides = array<i32>} : memref<32xi32, #tpu.memory_space<vmem>>, vector<16xi32>,
      tpu.vector_store_idx %arg10[%broadcast_in_dim3A_352, %get3A_363], %broadcast_in_dim3A_129 masked %eq3A_361 : memref<32x128xf32, #tpu.memory_space<vmem>>[vector<16xi32>, vector<16xi32>], vector<16xf32>, vector<16xi1>
      %broadcast_in_dim3A_364 = arith.constant 18 : i32
      %broadcast_in_dim3A_365 = vector.broadcast %broadcast_in_dim3A_364 : i32 to vector<16xi32>
      %gather3A_366 = tpu.vector_load_idx %arg7[%broadcast_in_dim3A_365] : memref<32xi32, #tpu.memory_space<vmem>>[vector<16xi32>], vector<16xi32>,
      %get3A_367 = arith.constant 0 : index
      %get3A_368 = tpu.vector_load %arg7[%get3A_367] {strides = array<i32>} : memref<32xi32, #tpu.memory_space<vmem>>, vector<16xi32>,
      %eq3A_369 = arith.cmpi eq, %get3A_368, %gather3A_366 : vector<16xi32>
      %get3A_370 = arith.constant 0 : index
      %get3A_371 = tpu.vector_load %arg8[%get3A_370] {strides = array<i32>} : memref<32xi32, #tpu.memory_space<vmem>>, vector<16xi32>,
      tpu.vector_store_idx %arg10[%broadcast_in_dim3A_365, %get3A_371], %broadcast_in_dim3A_129 masked %eq3A_369 : memref<32x128xf32, #tpu.memory_space<vmem>>[vector<16xi32>, vector<16xi32>], vector<16xf32>, vector<16xi1>
      %get3A_372 = arith.constant 16 : index
      %get3A_373 = tpu.vector_load %arg7[%get3A_372] {strides = array<i32>} : memref<32xi32, #tpu.memory_space<vmem>>, vector<16xi32>,
      %eq3A_374 = arith.cmpi eq, %get3A_373, %gather3A_366 : vector<16xi32>
      %get3A_375 = arith.constant 16 : index
      %get3A_376 = tpu.vector_load %arg8[%get3A_375] {strides = array<i32>} : memref<32xi32, #tpu.memory_space<vmem>>, vector<16xi32>,
      tpu.vector_store_idx %arg10[%broadcast_in_dim3A_365, %get3A_376], %broadcast_in_dim3A_129 masked %eq3A_374 : memref<32x128xf32, #tpu.memory_space<vmem>>[vector<16xi32>, vector<16xi32>], vector<16xf32>, vector<16xi1>
      %broadcast_in_dim3A_377 = arith.constant 19 : i32
      %broadcast_in_dim3A_378 = vector.broadcast %broadcast_in_dim3A_377 : i32 to vector<16xi32>
      %gather3A_379 = tpu.vector_load_idx %arg7[%broadcast_in_dim3A_378] : memref<32xi32, #tpu.memory_space<vmem>>[vector<16xi32>], vector<16xi32>,
      %get3A_380 = arith.constant 0 : index
      %get3A_381 = tpu.vector_load %arg7[%get3A_380] {strides = array<i32>} : memref<32xi32, #tpu.memory_space<vmem>>, vector<16xi32>,
      %eq3A_382 = arith.cmpi eq, %get3A_381, %gather3A_379 : vector<16xi32>
      %get3A_383 = arith.constant 0 : index
      %get3A_384 = tpu.vector_load %arg8[%get3A_383] {strides = array<i32>} : memref<32xi32, #tpu.memory_space<vmem>>, vector<16xi32>,
      tpu.vector_store_idx %arg10[%broadcast_in_dim3A_378, %get3A_384], %broadcast_in_dim3A_129 masked %eq3A_382 : memref<32x128xf32, #tpu.memory_space<vmem>>[vector<16xi32>, vector<16xi32>], vector<16xf32>, vector<16xi1>
      %get3A_385 = arith.constant 16 : index
      %get3A_386 = tpu.vector_load %arg7[%get3A_385] {strides = array<i32>} : memref<32xi32, #tpu.memory_space<vmem>>, vector<16xi32>,
      %eq3A_387 = arith.cmpi eq, %get3A_386, %gather3A_379 : vector<16xi32>
      %get3A_388 = arith.constant 16 : index
      %get3A_389 = tpu.vector_load %arg8[%get3A_388] {strides = array<i32>} : memref<32xi32, #tpu.memory_space<vmem>>, vector<16xi32>,
      tpu.vector_store_idx %arg10[%broadcast_in_dim3A_378, %get3A_389], %broadcast_in_dim3A_129 masked %eq3A_387 : memref<32x128xf32, #tpu.memory_space<vmem>>[vector<16xi32>, vector<16xi32>], vector<16xf32>, vector<16xi1>
      %broadcast_in_dim3A_390 = arith.constant 20 : i32
      %broadcast_in_dim3A_391 = vector.broadcast %broadcast_in_dim3A_390 : i32 to vector<16xi32>
      %gather3A_392 = tpu.vector_load_idx %arg7[%broadcast_in_dim3A_391] : memref<32xi32, #tpu.memory_space<vmem>>[vector<16xi32>], vector<16xi32>,
      %get3A_393 = arith.constant 0 : index
      %get3A_394 = tpu.vector_load %arg7[%get3A_393] {strides = array<i32>} : memref<32xi32, #tpu.memory_space<vmem>>, vector<16xi32>,
      %eq3A_395 = arith.cmpi eq, %get3A_394, %gather3A_392 : vector<16xi32>
      %get3A_396 = arith.constant 0 : index
      %get3A_397 = tpu.vector_load %arg8[%get3A_396] {strides = array<i32>} : memref<32xi32, #tpu.memory_space<vmem>>, vector<16xi32>,
      tpu.vector_store_idx %arg10[%broadcast_in_dim3A_391, %get3A_397], %broadcast_in_dim3A_129 masked %eq3A_395 : memref<32x128xf32, #tpu.memory_space<vmem>>[vector<16xi32>, vector<16xi32>], vector<16xf32>, vector<16xi1>
      %get3A_398 = arith.constant 16 : index
      %get3A_399 = tpu.vector_load %arg7[%get3A_398] {strides = array<i32>} : memref<32xi32, #tpu.memory_space<vmem>>, vector<16xi32>,
      %eq3A_400 = arith.cmpi eq, %get3A_399, %gather3A_392 : vector<16xi32>
      %get3A_401 = arith.constant 16 : index
      %get3A_402 = tpu.vector_load %arg8[%get3A_401] {strides = array<i32>} : memref<32xi32, #tpu.memory_space<vmem>>, vector<16xi32>,
      tpu.vector_store_idx %arg10[%broadcast_in_dim3A_391, %get3A_402], %broadcast_in_dim3A_129 masked %eq3A_400 : memref<32x128xf32, #tpu.memory_space<vmem>>[vector<16xi32>, vector<16xi32>], vector<16xf32>, vector<16xi1>
      %broadcast_in_dim3A_403 = arith.constant 21 : i32
      %broadcast_in_dim3A_404 = vector.broadcast %broadcast_in_dim3A_403 : i32 to vector<16xi32>
      %gather3A_405 = tpu.vector_load_idx %arg7[%broadcast_in_dim3A_404] : memref<32xi32, #tpu.memory_space<vmem>>[vector<16xi32>], vector<16xi32>,
      %get3A_406 = arith.constant 0 : index
      %get3A_407 = tpu.vector_load %arg7[%get3A_406] {strides = array<i32>} : memref<32xi32, #tpu.memory_space<vmem>>, vector<16xi32>,
      %eq3A_408 = arith.cmpi eq, %get3A_407, %gather3A_405 : vector<16xi32>
      %get3A_409 = arith.constant 0 : index
      %get3A_410 = tpu.vector_load %arg8[%get3A_409] {strides = array<i32>} : memref<32xi32, #tpu.memory_space<vmem>>, vector<16xi32>,
      tpu.vector_store_idx %arg10[%broadcast_in_dim3A_404, %get3A_410], %broadcast_in_dim3A_129 masked %eq3A_408 : memref<32x128xf32, #tpu.memory_space<vmem>>[vector<16xi32>, vector<16xi32>], vector<16xf32>, vector<16xi1>
      %get3A_411 = arith.constant 16 : index
      %get3A_412 = tpu.vector_load %arg7[%get3A_411] {strides = array<i32>} : memref<32xi32, #tpu.memory_space<vmem>>, vector<16xi32>,
      %eq3A_413 = arith.cmpi eq, %get3A_412, %gather3A_405 : vector<16xi32>
      %get3A_414 = arith.constant 16 : index
      %get3A_415 = tpu.vector_load %arg8[%get3A_414] {strides = array<i32>} : memref<32xi32, #tpu.memory_space<vmem>>, vector<16xi32>,
      tpu.vector_store_idx %arg10[%broadcast_in_dim3A_404, %get3A_415], %broadcast_in_dim3A_129 masked %eq3A_413 : memref<32x128xf32, #tpu.memory_space<vmem>>[vector<16xi32>, vector<16xi32>], vector<16xf32>, vector<16xi1>
      %broadcast_in_dim3A_416 = arith.constant 22 : i32
      %broadcast_in_dim3A_417 = vector.broadcast %broadcast_in_dim3A_416 : i32 to vector<16xi32>
      %gather3A_418 = tpu.vector_load_idx %arg7[%broadcast_in_dim3A_417] : memref<32xi32, #tpu.memory_space<vmem>>[vector<16xi32>], vector<16xi32>,
      %get3A_419 = arith.constant 0 : index
      %get3A_420 = tpu.vector_load %arg7[%get3A_419] {strides = array<i32>} : memref<32xi32, #tpu.memory_space<vmem>>, vector<16xi32>,
      %eq3A_421 = arith.cmpi eq, %get3A_420, %gather3A_418 : vector<16xi32>
      %get3A_422 = arith.constant 0 : index
      %get3A_423 = tpu.vector_load %arg8[%get3A_422] {strides = array<i32>} : memref<32xi32, #tpu.memory_space<vmem>>, vector<16xi32>,
      tpu.vector_store_idx %arg10[%broadcast_in_dim3A_417, %get3A_423], %broadcast_in_dim3A_129 masked %eq3A_421 : memref<32x128xf32, #tpu.memory_space<vmem>>[vector<16xi32>, vector<16xi32>], vector<16xf32>, vector<16xi1>
      %get3A_424 = arith.constant 16 : index
      %get3A_425 = tpu.vector_load %arg7[%get3A_424] {strides = array<i32>} : memref<32xi32, #tpu.memory_space<vmem>>, vector<16xi32>,
      %eq3A_426 = arith.cmpi eq, %get3A_425, %gather3A_418 : vector<16xi32>
      %get3A_427 = arith.constant 16 : index
      %get3A_428 = tpu.vector_load %arg8[%get3A_427] {strides = array<i32>} : memref<32xi32, #tpu.memory_space<vmem>>, vector<16xi32>,
      tpu.vector_store_idx %arg10[%broadcast_in_dim3A_417, %get3A_428], %broadcast_in_dim3A_129 masked %eq3A_426 : memref<32x128xf32, #tpu.memory_space<vmem>>[vector<16xi32>, vector<16xi32>], vector<16xf32>, vector<16xi1>
      %broadcast_in_dim3A_429 = arith.constant 23 : i32
      %broadcast_in_dim3A_430 = vector.broadcast %broadcast_in_dim3A_429 : i32 to vector<16xi32>
      %gather3A_431 = tpu.vector_load_idx %arg7[%broadcast_in_dim3A_430] : memref<32xi32, #tpu.memory_space<vmem>>[vector<16xi32>], vector<16xi32>,
      %get3A_432 = arith.constant 0 : index
      %get3A_433 = tpu.vector_load %arg7[%get3A_432] {strides = array<i32>} : memref<32xi32, #tpu.memory_space<vmem>>, vector<16xi32>,
      %eq3A_434 = arith.cmpi eq, %get3A_433, %gather3A_431 : vector<16xi32>
      %get3A_435 = arith.constant 0 : index
      %get3A_436 = tpu.vector_load %arg8[%get3A_435] {strides = array<i32>} : memref<32xi32, #tpu.memory_space<vmem>>, vector<16xi32>,
      tpu.vector_store_idx %arg10[%broadcast_in_dim3A_430, %get3A_436], %broadcast_in_dim3A_129 masked %eq3A_434 : memref<32x128xf32, #tpu.memory_space<vmem>>[vector<16xi32>, vector<16xi32>], vector<16xf32>, vector<16xi1>
      %get3A_437 = arith.constant 16 : index
      %get3A_438 = tpu.vector_load %arg7[%get3A_437] {strides = array<i32>} : memref<32xi32, #tpu.memory_space<vmem>>, vector<16xi32>,
      %eq3A_439 = arith.cmpi eq, %get3A_438, %gather3A_431 : vector<16xi32>
      %get3A_440 = arith.constant 16 : index
      %get3A_441 = tpu.vector_load %arg8[%get3A_440] {strides = array<i32>} : memref<32xi32, #tpu.memory_space<vmem>>, vector<16xi32>,
      tpu.vector_store_idx %arg10[%broadcast_in_dim3A_430, %get3A_441], %broadcast_in_dim3A_129 masked %eq3A_439 : memref<32x128xf32, #tpu.memory_space<vmem>>[vector<16xi32>, vector<16xi32>], vector<16xf32>, vector<16xi1>
      %broadcast_in_dim3A_442 = arith.constant 24 : i32
      %broadcast_in_dim3A_443 = vector.broadcast %broadcast_in_dim3A_442 : i32 to vector<16xi32>
      %gather3A_444 = tpu.vector_load_idx %arg7[%broadcast_in_dim3A_443] : memref<32xi32, #tpu.memory_space<vmem>>[vector<16xi32>], vector<16xi32>,
      %get3A_445 = arith.constant 0 : index
      %get3A_446 = tpu.vector_load %arg7[%get3A_445] {strides = array<i32>} : memref<32xi32, #tpu.memory_space<vmem>>, vector<16xi32>,
      %eq3A_447 = arith.cmpi eq, %get3A_446, %gather3A_444 : vector<16xi32>
      %get3A_448 = arith.constant 0 : index
      %get3A_449 = tpu.vector_load %arg8[%get3A_448] {strides = array<i32>} : memref<32xi32, #tpu.memory_space<vmem>>, vector<16xi32>,
      tpu.vector_store_idx %arg10[%broadcast_in_dim3A_443, %get3A_449], %broadcast_in_dim3A_129 masked %eq3A_447 : memref<32x128xf32, #tpu.memory_space<vmem>>[vector<16xi32>, vector<16xi32>], vector<16xf32>, vector<16xi1>
      %get3A_450 = arith.constant 16 : index
      %get3A_451 = tpu.vector_load %arg7[%get3A_450] {strides = array<i32>} : memref<32xi32, #tpu.memory_space<vmem>>, vector<16xi32>,
      %eq3A_452 = arith.cmpi eq, %get3A_451, %gather3A_444 : vector<16xi32>
      %get3A_453 = arith.constant 16 : index
      %get3A_454 = tpu.vector_load %arg8[%get3A_453] {strides = array<i32>} : memref<32xi32, #tpu.memory_space<vmem>>, vector<16xi32>,
      tpu.vector_store_idx %arg10[%broadcast_in_dim3A_443, %get3A_454], %broadcast_in_dim3A_129 masked %eq3A_452 : memref<32x128xf32, #tpu.memory_space<vmem>>[vector<16xi32>, vector<16xi32>], vector<16xf32>, vector<16xi1>
      %broadcast_in_dim3A_455 = arith.constant 25 : i32
      %broadcast_in_dim3A_456 = vector.broadcast %broadcast_in_dim3A_455 : i32 to vector<16xi32>
      %gather3A_457 = tpu.vector_load_idx %arg7[%broadcast_in_dim3A_456] : memref<32xi32, #tpu.memory_space<vmem>>[vector<16xi32>], vector<16xi32>,
      %get3A_458 = arith.constant 0 : index
      %get3A_459 = tpu.vector_load %arg7[%get3A_458] {strides = array<i32>} : memref<32xi32, #tpu.memory_space<vmem>>, vector<16xi32>,
      %eq3A_460 = arith.cmpi eq, %get3A_459, %gather3A_457 : vector<16xi32>
      %get3A_461 = arith.constant 0 : index
      %get3A_462 = tpu.vector_load %arg8[%get3A_461] {strides = array<i32>} : memref<32xi32, #tpu.memory_space<vmem>>, vector<16xi32>,
      tpu.vector_store_idx %arg10[%broadcast_in_dim3A_456, %get3A_462], %broadcast_in_dim3A_129 masked %eq3A_460 : memref<32x128xf32, #tpu.memory_space<vmem>>[vector<16xi32>, vector<16xi32>], vector<16xf32>, vector<16xi1>
      %get3A_463 = arith.constant 16 : index
      %get3A_464 = tpu.vector_load %arg7[%get3A_463] {strides = array<i32>} : memref<32xi32, #tpu.memory_space<vmem>>, vector<16xi32>,
      %eq3A_465 = arith.cmpi eq, %get3A_464, %gather3A_457 : vector<16xi32>
      %get3A_466 = arith.constant 16 : index
      %get3A_467 = tpu.vector_load %arg8[%get3A_466] {strides = array<i32>} : memref<32xi32, #tpu.memory_space<vmem>>, vector<16xi32>,
      tpu.vector_store_idx %arg10[%broadcast_in_dim3A_456, %get3A_467], %broadcast_in_dim3A_129 masked %eq3A_465 : memref<32x128xf32, #tpu.memory_space<vmem>>[vector<16xi32>, vector<16xi32>], vector<16xf32>, vector<16xi1>
      %broadcast_in_dim3A_468 = arith.constant 26 : i32
      %broadcast_in_dim3A_469 = vector.broadcast %broadcast_in_dim3A_468 : i32 to vector<16xi32>
      %gather3A_470 = tpu.vector_load_idx %arg7[%broadcast_in_dim3A_469] : memref<32xi32, #tpu.memory_space<vmem>>[vector<16xi32>], vector<16xi32>,
      %get3A_471 = arith.constant 0 : index
      %get3A_472 = tpu.vector_load %arg7[%get3A_471] {strides = array<i32>} : memref<32xi32, #tpu.memory_space<vmem>>, vector<16xi32>,
      %eq3A_473 = arith.cmpi eq, %get3A_472, %gather3A_470 : vector<16xi32>
      %get3A_474 = arith.constant 0 : index
      %get3A_475 = tpu.vector_load %arg8[%get3A_474] {strides = array<i32>} : memref<32xi32, #tpu.memory_space<vmem>>, vector<16xi32>,
      tpu.vector_store_idx %arg10[%broadcast_in_dim3A_469, %get3A_475], %broadcast_in_dim3A_129 masked %eq3A_473 : memref<32x128xf32, #tpu.memory_space<vmem>>[vector<16xi32>, vector<16xi32>], vector<16xf32>, vector<16xi1>
      %get3A_476 = arith.constant 16 : index
      %get3A_477 = tpu.vector_load %arg7[%get3A_476] {strides = array<i32>} : memref<32xi32, #tpu.memory_space<vmem>>, vector<16xi32>,
      %eq3A_478 = arith.cmpi eq, %get3A_477, %gather3A_470 : vector<16xi32>
      %get3A_479 = arith.constant 16 : index
      %get3A_480 = tpu.vector_load %arg8[%get3A_479] {strides = array<i32>} : memref<32xi32, #tpu.memory_space<vmem>>, vector<16xi32>,
      tpu.vector_store_idx %arg10[%broadcast_in_dim3A_469, %get3A_480], %broadcast_in_dim3A_129 masked %eq3A_478 : memref<32x128xf32, #tpu.memory_space<vmem>>[vector<16xi32>, vector<16xi32>], vector<16xf32>, vector<16xi1>
      %broadcast_in_dim3A_481 = arith.constant 27 : i32
      %broadcast_in_dim3A_482 = vector.broadcast %broadcast_in_dim3A_481 : i32 to vector<16xi32>
      %gather3A_483 = tpu.vector_load_idx %arg7[%broadcast_in_dim3A_482] : memref<32xi32, #tpu.memory_space<vmem>>[vector<16xi32>], vector<16xi32>,
      %get3A_484 = arith.constant 0 : index
      %get3A_485 = tpu.vector_load %arg7[%get3A_484] {strides = array<i32>} : memref<32xi32, #tpu.memory_space<vmem>>, vector<16xi32>,
      %eq3A_486 = arith.cmpi eq, %get3A_485, %gather3A_483 : vector<16xi32>
      %get3A_487 = arith.constant 0 : index
      %get3A_488 = tpu.vector_load %arg8[%get3A_487] {strides = array<i32>} : memref<32xi32, #tpu.memory_space<vmem>>, vector<16xi32>,
      tpu.vector_store_idx %arg10[%broadcast_in_dim3A_482, %get3A_488], %broadcast_in_dim3A_129 masked %eq3A_486 : memref<32x128xf32, #tpu.memory_space<vmem>>[vector<16xi32>, vector<16xi32>], vector<16xf32>, vector<16xi1>
      %get3A_489 = arith.constant 16 : index
      %get3A_490 = tpu.vector_load %arg7[%get3A_489] {strides = array<i32>} : memref<32xi32, #tpu.memory_space<vmem>>, vector<16xi32>,
      %eq3A_491 = arith.cmpi eq, %get3A_490, %gather3A_483 : vector<16xi32>
      %get3A_492 = arith.constant 16 : index
      %get3A_493 = tpu.vector_load %arg8[%get3A_492] {strides = array<i32>} : memref<32xi32, #tpu.memory_space<vmem>>, vector<16xi32>,
      tpu.vector_store_idx %arg10[%broadcast_in_dim3A_482, %get3A_493], %broadcast_in_dim3A_129 masked %eq3A_491 : memref<32x128xf32, #tpu.memory_space<vmem>>[vector<16xi32>, vector<16xi32>], vector<16xf32>, vector<16xi1>
      %broadcast_in_dim3A_494 = arith.constant 28 : i32
      %broadcast_in_dim3A_495 = vector.broadcast %broadcast_in_dim3A_494 : i32 to vector<16xi32>
      %gather3A_496 = tpu.vector_load_idx %arg7[%broadcast_in_dim3A_495] : memref<32xi32, #tpu.memory_space<vmem>>[vector<16xi32>], vector<16xi32>,
      %get3A_497 = arith.constant 0 : index
      %get3A_498 = tpu.vector_load %arg7[%get3A_497] {strides = array<i32>} : memref<32xi32, #tpu.memory_space<vmem>>, vector<16xi32>,
      %eq3A_499 = arith.cmpi eq, %get3A_498, %gather3A_496 : vector<16xi32>
      %get3A_500 = arith.constant 0 : index
      %get3A_501 = tpu.vector_load %arg8[%get3A_500] {strides = array<i32>} : memref<32xi32, #tpu.memory_space<vmem>>, vector<16xi32>,
      tpu.vector_store_idx %arg10[%broadcast_in_dim3A_495, %get3A_501], %broadcast_in_dim3A_129 masked %eq3A_499 : memref<32x128xf32, #tpu.memory_space<vmem>>[vector<16xi32>, vector<16xi32>], vector<16xf32>, vector<16xi1>
      %get3A_502 = arith.constant 16 : index
      %get3A_503 = tpu.vector_load %arg7[%get3A_502] {strides = array<i32>} : memref<32xi32, #tpu.memory_space<vmem>>, vector<16xi32>,
      %eq3A_504 = arith.cmpi eq, %get3A_503, %gather3A_496 : vector<16xi32>
      %get3A_505 = arith.constant 16 : index
      %get3A_506 = tpu.vector_load %arg8[%get3A_505] {strides = array<i32>} : memref<32xi32, #tpu.memory_space<vmem>>, vector<16xi32>,
      tpu.vector_store_idx %arg10[%broadcast_in_dim3A_495, %get3A_506], %broadcast_in_dim3A_129 masked %eq3A_504 : memref<32x128xf32, #tpu.memory_space<vmem>>[vector<16xi32>, vector<16xi32>], vector<16xf32>, vector<16xi1>
      %broadcast_in_dim3A_507 = arith.constant 29 : i32
      %broadcast_in_dim3A_508 = vector.broadcast %broadcast_in_dim3A_507 : i32 to vector<16xi32>
      %gather3A_509 = tpu.vector_load_idx %arg7[%broadcast_in_dim3A_508] : memref<32xi32, #tpu.memory_space<vmem>>[vector<16xi32>], vector<16xi32>,
      %get3A_510 = arith.constant 0 : index
      %get3A_511 = tpu.vector_load %arg7[%get3A_510] {strides = array<i32>} : memref<32xi32, #tpu.memory_space<vmem>>, vector<16xi32>,
      %eq3A_512 = arith.cmpi eq, %get3A_511, %gather3A_509 : vector<16xi32>
      %get3A_513 = arith.constant 0 : index
      %get3A_514 = tpu.vector_load %arg8[%get3A_513] {strides = array<i32>} : memref<32xi32, #tpu.memory_space<vmem>>, vector<16xi32>,
      tpu.vector_store_idx %arg10[%broadcast_in_dim3A_508, %get3A_514], %broadcast_in_dim3A_129 masked %eq3A_512 : memref<32x128xf32, #tpu.memory_space<vmem>>[vector<16xi32>, vector<16xi32>], vector<16xf32>, vector<16xi1>
      %get3A_515 = arith.constant 16 : index
      %get3A_516 = tpu.vector_load %arg7[%get3A_515] {strides = array<i32>} : memref<32xi32, #tpu.memory_space<vmem>>, vector<16xi32>,
      %eq3A_517 = arith.cmpi eq, %get3A_516, %gather3A_509 : vector<16xi32>
      %get3A_518 = arith.constant 16 : index
      %get3A_519 = tpu.vector_load %arg8[%get3A_518] {strides = array<i32>} : memref<32xi32, #tpu.memory_space<vmem>>, vector<16xi32>,
      tpu.vector_store_idx %arg10[%broadcast_in_dim3A_508, %get3A_519], %broadcast_in_dim3A_129 masked %eq3A_517 : memref<32x128xf32, #tpu.memory_space<vmem>>[vector<16xi32>, vector<16xi32>], vector<16xf32>, vector<16xi1>
      %broadcast_in_dim3A_520 = arith.constant 30 : i32
      %broadcast_in_dim3A_521 = vector.broadcast %broadcast_in_dim3A_520 : i32 to vector<16xi32>
      %gather3A_522 = tpu.vector_load_idx %arg7[%broadcast_in_dim3A_521] : memref<32xi32, #tpu.memory_space<vmem>>[vector<16xi32>], vector<16xi32>,
      %get3A_523 = arith.constant 0 : index
      %get3A_524 = tpu.vector_load %arg7[%get3A_523] {strides = array<i32>} : memref<32xi32, #tpu.memory_space<vmem>>, vector<16xi32>,
      %eq3A_525 = arith.cmpi eq, %get3A_524, %gather3A_522 : vector<16xi32>
      %get3A_526 = arith.constant 0 : index
      %get3A_527 = tpu.vector_load %arg8[%get3A_526] {strides = array<i32>} : memref<32xi32, #tpu.memory_space<vmem>>, vector<16xi32>,
      tpu.vector_store_idx %arg10[%broadcast_in_dim3A_521, %get3A_527], %broadcast_in_dim3A_129 masked %eq3A_525 : memref<32x128xf32, #tpu.memory_space<vmem>>[vector<16xi32>, vector<16xi32>], vector<16xf32>, vector<16xi1>
      %get3A_528 = arith.constant 16 : index
      %get3A_529 = tpu.vector_load %arg7[%get3A_528] {strides = array<i32>} : memref<32xi32, #tpu.memory_space<vmem>>, vector<16xi32>,
      %eq3A_530 = arith.cmpi eq, %get3A_529, %gather3A_522 : vector<16xi32>
      %get3A_531 = arith.constant 16 : index
      %get3A_532 = tpu.vector_load %arg8[%get3A_531] {strides = array<i32>} : memref<32xi32, #tpu.memory_space<vmem>>, vector<16xi32>,
      tpu.vector_store_idx %arg10[%broadcast_in_dim3A_521, %get3A_532], %broadcast_in_dim3A_129 masked %eq3A_530 : memref<32x128xf32, #tpu.memory_space<vmem>>[vector<16xi32>, vector<16xi32>], vector<16xf32>, vector<16xi1>
      %broadcast_in_dim3A_533 = arith.constant 31 : i32
      %broadcast_in_dim3A_534 = vector.broadcast %broadcast_in_dim3A_533 : i32 to vector<16xi32>
      %gather3A_535 = tpu.vector_load_idx %arg7[%broadcast_in_dim3A_534] : memref<32xi32, #tpu.memory_space<vmem>>[vector<16xi32>], vector<16xi32>,
      %get3A_536 = arith.constant 0 : index
      %get3A_537 = tpu.vector_load %arg7[%get3A_536] {strides = array<i32>} : memref<32xi32, #tpu.memory_space<vmem>>, vector<16xi32>,
      %eq3A_538 = arith.cmpi eq, %get3A_537, %gather3A_535 : vector<16xi32>
      %get3A_539 = arith.constant 0 : index
      %get3A_540 = tpu.vector_load %arg8[%get3A_539] {strides = array<i32>} : memref<32xi32, #tpu.memory_space<vmem>>, vector<16xi32>,
      tpu.vector_store_idx %arg10[%broadcast_in_dim3A_534, %get3A_540], %broadcast_in_dim3A_129 masked %eq3A_538 : memref<32x128xf32, #tpu.memory_space<vmem>>[vector<16xi32>, vector<16xi32>], vector<16xf32>, vector<16xi1>
      %get3A_541 = arith.constant 16 : index
      %get3A_542 = tpu.vector_load %arg7[%get3A_541] {strides = array<i32>} : memref<32xi32, #tpu.memory_space<vmem>>, vector<16xi32>,
      %eq3A_543 = arith.cmpi eq, %get3A_542, %gather3A_535 : vector<16xi32>
      %get3A_544 = arith.constant 16 : index
      %get3A_545 = tpu.vector_load %arg8[%get3A_544] {strides = array<i32>} : memref<32xi32, #tpu.memory_space<vmem>>, vector<16xi32>,
      tpu.vector_store_idx %arg10[%broadcast_in_dim3A_534, %get3A_545], %broadcast_in_dim3A_129 masked %eq3A_543 : memref<32x128xf32, #tpu.memory_space<vmem>>[vector<16xi32>, vector<16xi32>], vector<16xf32>, vector<16xi1>
      %dma_start3A_546 = arith.constant 0 : i32
      %dma_start3A_547 = arith.constant 0 : i32
      %dma_start3A_548 = tpu.memref_slice %arg3[%dma_start3A_546, %dma_start3A_547] : memref<31250x128xf32, #tpu.memory_space<hbm>> -> memref<31250x128xf32, #tpu.memory_space<hbm>>
      tpu.enqueue_indirect_dma source(%arg10 : memref<32x128xf32, #tpu.memory_space<vmem>>) target(%dma_start3A_548 : memref<31250x128xf32, #tpu.memory_space<hbm>>) offsets(%arg7 : memref<32xi32, #tpu.memory_space<vmem>>) semaphore(%arg12 : memref<!tpu.dma_semaphore, #tpu.memory_space<semaphore_mem>>)
      %dma_wait3A_549 = arith.constant 0 : i32
      %dma_wait3A_550 = arith.constant 0 : i32
      %dma_wait3A_551 = tpu.memref_slice %arg3[%dma_wait3A_549, %dma_wait3A_550] : memref<31250x128xf32, #tpu.memory_space<hbm>> -> memref<31250x128xf32, #tpu.memory_space<hbm>>
      tpu.wait_indirect_dma semaphore(%arg12 : memref<!tpu.dma_semaphore, #tpu.memory_space<semaphore_mem>>) src(%arg10 : memref<32x128xf32, #tpu.memory_space<vmem>>) dst(%dma_wait3A_551 : memref<31250x128xf32, #tpu.memory_space<hbm>>)
    } else {
    }
    return
  }
}

module attributes {stable_mosaic.version = 14 : i64} {
  func.func @_main_body(%arg0: i32, %arg1: memref<8x1000xf32, #tpu.memory_space<vmem>>, %arg2: memref<8x1000xf32, #tpu.memory_space<vmem>>, %arg3: memref<8x1000xf32, #tpu.memory_space<vmem>>, %arg4: memref<32x3xf32, #tpu.memory_space<vmem>>, %arg5: memref<32x128xi32, #tpu.memory_space<vmem>>, %arg6: memref<32x4xf32, #tpu.memory_space<vmem>>, %arg7: memref<32x1xf32, #tpu.memory_space<vmem>>, %arg8: memref<32x1xi32, #tpu.memory_space<vmem>>) attributes {dimension_semantics = [#tpu.dimension_semantics<arbitrary>], iteration_bounds = array<i64: 125>, scalar_prefetch = 0 : i64, scratch_operands = 3 : i64, tpu.core_type = #tpu.core_type<tc>, window_params = [{transform_indices = @transform_0, window_bounds = array<i64: 8, 1000>}, {transform_indices = @transform_1, window_bounds = array<i64: 8, 1000>}, {transform_indices = @transform_2, window_bounds = array<i64: 8, 1000>}, {pipeline_mode = #tpu.pipeline_mode<synchronous>, transform_indices = @transform_3, window_bounds = array<i64: 32, 3>}, {pipeline_mode = #tpu.pipeline_mode<synchronous>, transform_indices = @transform_4, window_bounds = array<i64: 32, 128>}]} {
    %eq3A = arith.constant 0 : i32
    %eq3A_0 = arith.cmpi eq, %arg0, %eq3A : i32
    %convert_element_type3A = arith.extui %eq3A_0 : i1 to i32
    %cond3A = arith.constant 0 : i32
    %cond3A_1 = arith.cmpi ne, %convert_element_type3A, %cond3A : i32
    scf.if %cond3A_1 {
      %get3A_168 = arith.constant 0 : index
      %get3A_169 = arith.constant 0 : index
      %get3A_170 = vector.load %arg4[%get3A_168, %get3A_169] : memref<32x3xf32, #tpu.memory_space<vmem>>, vector<32x3xf32>
      %mul3A_171 = arith.constant -2.000000e+00 : f32
      %mul3A_172 = vector.broadcast %mul3A_171 : f32 to vector<32x3xf32>
      %mul3A_173 = arith.mulf %get3A_170, %mul3A_172 : vector<32x3xf32>
      %swap3A_174 = arith.constant 0 : index
      %swap3A_175 = arith.constant 0 : index
      %swap3A_176 = vector.load %arg6[%swap3A_174, %swap3A_175] : memref<32x4xf32, #tpu.memory_space<vmem>>, vector<32x3xf32>
      tpu.vector_store %arg6[%swap3A_174, %swap3A_175], %mul3A_173 {strides = array<i32>} : memref<32x4xf32, #tpu.memory_space<vmem>>, vector<32x3xf32>,
      %broadcast_in_dim3A_177 = arith.constant 1.000000e+00 : f32
      %broadcast_in_dim3A_178 = vector.broadcast %broadcast_in_dim3A_177 : f32 to vector<32x1xf32>
      %swap3A_179 = arith.constant 0 : index
      %swap3A_180 = arith.constant 3 : index
      %swap3A_181 = vector.load %arg6[%swap3A_179, %swap3A_180] : memref<32x4xf32, #tpu.memory_space<vmem>>, vector<32x1xf32>
      tpu.vector_store %arg6[%swap3A_179, %swap3A_180], %broadcast_in_dim3A_178 {strides = array<i32>} : memref<32x4xf32, #tpu.memory_space<vmem>>, vector<32x1xf32>,
      %broadcast_in_dim3A_182 = arith.constant 0x7F800000 : f32
      %broadcast_in_dim3A_183 = vector.broadcast %broadcast_in_dim3A_182 : f32 to vector<32x1xf32>
      %swap3A_184 = arith.constant 0 : index
      %swap3A_185 = arith.constant 0 : index
      %swap3A_186 = vector.load %arg7[%swap3A_184, %swap3A_185] : memref<32x1xf32, #tpu.memory_space<vmem>>, vector<32x1xf32>
      tpu.vector_store %arg7[%swap3A_184, %swap3A_185], %broadcast_in_dim3A_183 {strides = array<i32>} : memref<32x1xf32, #tpu.memory_space<vmem>>, vector<32x1xf32>,
      %broadcast_in_dim3A_187 = arith.constant 0 : i32
      %broadcast_in_dim3A_188 = vector.broadcast %broadcast_in_dim3A_187 : i32 to vector<32x1xi32>
      %swap3A_189 = arith.constant 0 : index
      %swap3A_190 = arith.constant 0 : index
      %swap3A_191 = vector.load %arg8[%swap3A_189, %swap3A_190] : memref<32x1xi32, #tpu.memory_space<vmem>>, vector<32x1xi32>
      tpu.vector_store %arg8[%swap3A_189, %swap3A_190], %broadcast_in_dim3A_188 {strides = array<i32>} : memref<32x1xi32, #tpu.memory_space<vmem>>, vector<32x1xi32>,
    } else {
    }
    %get3A = arith.constant 0 : index
    %get3A_2 = arith.constant 0 : index
    %get3A_3 = vector.load %arg1[%get3A, %get3A_2] : memref<8x1000xf32, #tpu.memory_space<vmem>>, vector<8x1000xf32>
    %get3A_4 = arith.constant 0 : index
    %get3A_5 = arith.constant 0 : index
    %get3A_6 = vector.load %arg2[%get3A_4, %get3A_5] : memref<8x1000xf32, #tpu.memory_space<vmem>>, vector<8x1000xf32>
    %get3A_7 = arith.constant 0 : index
    %get3A_8 = arith.constant 0 : index
    %get3A_9 = vector.load %arg3[%get3A_7, %get3A_8] : memref<8x1000xf32, #tpu.memory_space<vmem>>, vector<8x1000xf32>
    %mul3A = arith.mulf %get3A_3, %get3A_3 : vector<8x1000xf32>
    %mul3A_10 = arith.mulf %get3A_6, %get3A_6 : vector<8x1000xf32>
    %add3A = arith.addf %mul3A, %mul3A_10 : vector<8x1000xf32>
    %mul3A_11 = arith.mulf %get3A_9, %get3A_9 : vector<8x1000xf32>
    %add3A_12 = arith.addf %add3A, %mul3A_11 : vector<8x1000xf32>
    %iota3A = tpu.iota {dimensions = array<i32: 1>} : vector<32x1000xi32>
    %slice3A = vector.extract_strided_slice %get3A_3 {offsets = [0, 0], sizes = [1, 1000], strides = [1, 1]} : vector<8x1000xf32> to vector<1x1000xf32>
    %slice3A_13 = vector.extract_strided_slice %get3A_6 {offsets = [0, 0], sizes = [1, 1000], strides = [1, 1]} : vector<8x1000xf32> to vector<1x1000xf32>
    %slice3A_14 = vector.extract_strided_slice %get3A_9 {offsets = [0, 0], sizes = [1, 1000], strides = [1, 1]} : vector<8x1000xf32> to vector<1x1000xf32>
    %slice3A_15 = vector.extract_strided_slice %add3A_12 {offsets = [0, 0], sizes = [1, 1000], strides = [1, 1]} : vector<8x1000xf32> to vector<1x1000xf32>
    %concatenate3A = tpu.concatenate %slice3A, %slice3A_13, %slice3A_14, %slice3A_15 in 0 : vector<1x1000xf32>, vector<1x1000xf32>, vector<1x1000xf32>, vector<1x1000xf32> -> vector<4x1000xf32>
    %get3A_16 = arith.constant 0 : index
    %get3A_17 = arith.constant 0 : index
    %get3A_18 = vector.load %arg6[%get3A_16, %get3A_17] : memref<32x4xf32, #tpu.memory_space<vmem>>, vector<32x4xf32>
    %dot_general3A = arith.constant dense<0.000000e+00> : vector<32x1000xf32>
    %dot_general3A_19 = tpu.matmul %get3A_18, %concatenate3A, %dot_general3A {dimension_numbers = #tpu.dot_dimension_numbers<[1], [0], [0], [1], [0, 0, 1, 1], [], []>, precision = #tpu.contract_precision<fp32>, transpose_lhs_hint = false} : vector<32x4xf32>, vector<4x1000xf32>, vector<32x1000xf32> -> vector<32x1000xf32>
    %add3A_20 = arith.constant 0 : i32
    %add3A_21 = vector.broadcast %add3A_20 : i32 to vector<32x1000xi32>
    %add3A_22 = arith.addi %iota3A, %add3A_21 : vector<32x1000xi32>
    %slice3A_23 = vector.extract_strided_slice %get3A_3 {offsets = [1, 0], sizes = [1, 1000], strides = [1, 1]} : vector<8x1000xf32> to vector<1x1000xf32>
    %slice3A_24 = vector.extract_strided_slice %get3A_6 {offsets = [1, 0], sizes = [1, 1000], strides = [1, 1]} : vector<8x1000xf32> to vector<1x1000xf32>
    %slice3A_25 = vector.extract_strided_slice %get3A_9 {offsets = [1, 0], sizes = [1, 1000], strides = [1, 1]} : vector<8x1000xf32> to vector<1x1000xf32>
    %slice3A_26 = vector.extract_strided_slice %add3A_12 {offsets = [1, 0], sizes = [1, 1000], strides = [1, 1]} : vector<8x1000xf32> to vector<1x1000xf32>
    %concatenate3A_27 = tpu.concatenate %slice3A_23, %slice3A_24, %slice3A_25, %slice3A_26 in 0 : vector<1x1000xf32>, vector<1x1000xf32>, vector<1x1000xf32>, vector<1x1000xf32> -> vector<4x1000xf32>
    %get3A_28 = arith.constant 0 : index
    %get3A_29 = arith.constant 0 : index
    %get3A_30 = vector.load %arg6[%get3A_28, %get3A_29] : memref<32x4xf32, #tpu.memory_space<vmem>>, vector<32x4xf32>
    %dot_general3A_31 = arith.constant dense<0.000000e+00> : vector<32x1000xf32>
    %dot_general3A_32 = tpu.matmul %get3A_30, %concatenate3A_27, %dot_general3A_31 {dimension_numbers = #tpu.dot_dimension_numbers<[1], [0], [0], [1], [0, 0, 1, 1], [], []>, precision = #tpu.contract_precision<fp32>, transpose_lhs_hint = false} : vector<32x4xf32>, vector<4x1000xf32>, vector<32x1000xf32> -> vector<32x1000xf32>
    %add3A_33 = arith.constant 1000 : i32
    %add3A_34 = vector.broadcast %add3A_33 : i32 to vector<32x1000xi32>
    %add3A_35 = arith.addi %iota3A, %add3A_34 : vector<32x1000xi32>
    %lt3A = arith.cmpf olt, %dot_general3A_32, %dot_general3A_19 : vector<32x1000xf32>
    %min3A = arith.minimumf %dot_general3A_19, %dot_general3A_32 : vector<32x1000xf32>
    %select_n3A = arith.select %lt3A, %add3A_35, %add3A_22 : vector<32x1000xi1>, vector<32x1000xi32>
    %slice3A_36 = vector.extract_strided_slice %get3A_3 {offsets = [2, 0], sizes = [1, 1000], strides = [1, 1]} : vector<8x1000xf32> to vector<1x1000xf32>
    %slice3A_37 = vector.extract_strided_slice %get3A_6 {offsets = [2, 0], sizes = [1, 1000], strides = [1, 1]} : vector<8x1000xf32> to vector<1x1000xf32>
    %slice3A_38 = vector.extract_strided_slice %get3A_9 {offsets = [2, 0], sizes = [1, 1000], strides = [1, 1]} : vector<8x1000xf32> to vector<1x1000xf32>
    %slice3A_39 = vector.extract_strided_slice %add3A_12 {offsets = [2, 0], sizes = [1, 1000], strides = [1, 1]} : vector<8x1000xf32> to vector<1x1000xf32>
    %concatenate3A_40 = tpu.concatenate %slice3A_36, %slice3A_37, %slice3A_38, %slice3A_39 in 0 : vector<1x1000xf32>, vector<1x1000xf32>, vector<1x1000xf32>, vector<1x1000xf32> -> vector<4x1000xf32>
    %get3A_41 = arith.constant 0 : index
    %get3A_42 = arith.constant 0 : index
    %get3A_43 = vector.load %arg6[%get3A_41, %get3A_42] : memref<32x4xf32, #tpu.memory_space<vmem>>, vector<32x4xf32>
    %dot_general3A_44 = arith.constant dense<0.000000e+00> : vector<32x1000xf32>
    %dot_general3A_45 = tpu.matmul %get3A_43, %concatenate3A_40, %dot_general3A_44 {dimension_numbers = #tpu.dot_dimension_numbers<[1], [0], [0], [1], [0, 0, 1, 1], [], []>, precision = #tpu.contract_precision<fp32>, transpose_lhs_hint = false} : vector<32x4xf32>, vector<4x1000xf32>, vector<32x1000xf32> -> vector<32x1000xf32>
    %add3A_46 = arith.constant 2000 : i32
    %add3A_47 = vector.broadcast %add3A_46 : i32 to vector<32x1000xi32>
    %add3A_48 = arith.addi %iota3A, %add3A_47 : vector<32x1000xi32>
    %lt3A_49 = arith.cmpf olt, %dot_general3A_45, %min3A : vector<32x1000xf32>
    %min3A_50 = arith.minimumf %min3A, %dot_general3A_45 : vector<32x1000xf32>
    %select_n3A_51 = arith.select %lt3A_49, %add3A_48, %select_n3A : vector<32x1000xi1>, vector<32x1000xi32>
    %slice3A_52 = vector.extract_strided_slice %get3A_3 {offsets = [3, 0], sizes = [1, 1000], strides = [1, 1]} : vector<8x1000xf32> to vector<1x1000xf32>
    %slice3A_53 = vector.extract_strided_slice %get3A_6 {offsets = [3, 0], sizes = [1, 1000], strides = [1, 1]} : vector<8x1000xf32> to vector<1x1000xf32>
    %slice3A_54 = vector.extract_strided_slice %get3A_9 {offsets = [3, 0], sizes = [1, 1000], strides = [1, 1]} : vector<8x1000xf32> to vector<1x1000xf32>
    %slice3A_55 = vector.extract_strided_slice %add3A_12 {offsets = [3, 0], sizes = [1, 1000], strides = [1, 1]} : vector<8x1000xf32> to vector<1x1000xf32>
    %concatenate3A_56 = tpu.concatenate %slice3A_52, %slice3A_53, %slice3A_54, %slice3A_55 in 0 : vector<1x1000xf32>, vector<1x1000xf32>, vector<1x1000xf32>, vector<1x1000xf32> -> vector<4x1000xf32>
    %get3A_57 = arith.constant 0 : index
    %get3A_58 = arith.constant 0 : index
    %get3A_59 = vector.load %arg6[%get3A_57, %get3A_58] : memref<32x4xf32, #tpu.memory_space<vmem>>, vector<32x4xf32>
    %dot_general3A_60 = arith.constant dense<0.000000e+00> : vector<32x1000xf32>
    %dot_general3A_61 = tpu.matmul %get3A_59, %concatenate3A_56, %dot_general3A_60 {dimension_numbers = #tpu.dot_dimension_numbers<[1], [0], [0], [1], [0, 0, 1, 1], [], []>, precision = #tpu.contract_precision<fp32>, transpose_lhs_hint = false} : vector<32x4xf32>, vector<4x1000xf32>, vector<32x1000xf32> -> vector<32x1000xf32>
    %add3A_62 = arith.constant 3000 : i32
    %add3A_63 = vector.broadcast %add3A_62 : i32 to vector<32x1000xi32>
    %add3A_64 = arith.addi %iota3A, %add3A_63 : vector<32x1000xi32>
    %lt3A_65 = arith.cmpf olt, %dot_general3A_61, %min3A_50 : vector<32x1000xf32>
    %min3A_66 = arith.minimumf %min3A_50, %dot_general3A_61 : vector<32x1000xf32>
    %select_n3A_67 = arith.select %lt3A_65, %add3A_64, %select_n3A_51 : vector<32x1000xi1>, vector<32x1000xi32>
    %slice3A_68 = vector.extract_strided_slice %get3A_3 {offsets = [4, 0], sizes = [1, 1000], strides = [1, 1]} : vector<8x1000xf32> to vector<1x1000xf32>
    %slice3A_69 = vector.extract_strided_slice %get3A_6 {offsets = [4, 0], sizes = [1, 1000], strides = [1, 1]} : vector<8x1000xf32> to vector<1x1000xf32>
    %slice3A_70 = vector.extract_strided_slice %get3A_9 {offsets = [4, 0], sizes = [1, 1000], strides = [1, 1]} : vector<8x1000xf32> to vector<1x1000xf32>
    %slice3A_71 = vector.extract_strided_slice %add3A_12 {offsets = [4, 0], sizes = [1, 1000], strides = [1, 1]} : vector<8x1000xf32> to vector<1x1000xf32>
    %concatenate3A_72 = tpu.concatenate %slice3A_68, %slice3A_69, %slice3A_70, %slice3A_71 in 0 : vector<1x1000xf32>, vector<1x1000xf32>, vector<1x1000xf32>, vector<1x1000xf32> -> vector<4x1000xf32>
    %get3A_73 = arith.constant 0 : index
    %get3A_74 = arith.constant 0 : index
    %get3A_75 = vector.load %arg6[%get3A_73, %get3A_74] : memref<32x4xf32, #tpu.memory_space<vmem>>, vector<32x4xf32>
    %dot_general3A_76 = arith.constant dense<0.000000e+00> : vector<32x1000xf32>
    %dot_general3A_77 = tpu.matmul %get3A_75, %concatenate3A_72, %dot_general3A_76 {dimension_numbers = #tpu.dot_dimension_numbers<[1], [0], [0], [1], [0, 0, 1, 1], [], []>, precision = #tpu.contract_precision<fp32>, transpose_lhs_hint = false} : vector<32x4xf32>, vector<4x1000xf32>, vector<32x1000xf32> -> vector<32x1000xf32>
    %add3A_78 = arith.constant 4000 : i32
    %add3A_79 = vector.broadcast %add3A_78 : i32 to vector<32x1000xi32>
    %add3A_80 = arith.addi %iota3A, %add3A_79 : vector<32x1000xi32>
    %lt3A_81 = arith.cmpf olt, %dot_general3A_77, %min3A_66 : vector<32x1000xf32>
    %min3A_82 = arith.minimumf %min3A_66, %dot_general3A_77 : vector<32x1000xf32>
    %select_n3A_83 = arith.select %lt3A_81, %add3A_80, %select_n3A_67 : vector<32x1000xi1>, vector<32x1000xi32>
    %slice3A_84 = vector.extract_strided_slice %get3A_3 {offsets = [5, 0], sizes = [1, 1000], strides = [1, 1]} : vector<8x1000xf32> to vector<1x1000xf32>
    %slice3A_85 = vector.extract_strided_slice %get3A_6 {offsets = [5, 0], sizes = [1, 1000], strides = [1, 1]} : vector<8x1000xf32> to vector<1x1000xf32>
    %slice3A_86 = vector.extract_strided_slice %get3A_9 {offsets = [5, 0], sizes = [1, 1000], strides = [1, 1]} : vector<8x1000xf32> to vector<1x1000xf32>
    %slice3A_87 = vector.extract_strided_slice %add3A_12 {offsets = [5, 0], sizes = [1, 1000], strides = [1, 1]} : vector<8x1000xf32> to vector<1x1000xf32>
    %concatenate3A_88 = tpu.concatenate %slice3A_84, %slice3A_85, %slice3A_86, %slice3A_87 in 0 : vector<1x1000xf32>, vector<1x1000xf32>, vector<1x1000xf32>, vector<1x1000xf32> -> vector<4x1000xf32>
    %get3A_89 = arith.constant 0 : index
    %get3A_90 = arith.constant 0 : index
    %get3A_91 = vector.load %arg6[%get3A_89, %get3A_90] : memref<32x4xf32, #tpu.memory_space<vmem>>, vector<32x4xf32>
    %dot_general3A_92 = arith.constant dense<0.000000e+00> : vector<32x1000xf32>
    %dot_general3A_93 = tpu.matmul %get3A_91, %concatenate3A_88, %dot_general3A_92 {dimension_numbers = #tpu.dot_dimension_numbers<[1], [0], [0], [1], [0, 0, 1, 1], [], []>, precision = #tpu.contract_precision<fp32>, transpose_lhs_hint = false} : vector<32x4xf32>, vector<4x1000xf32>, vector<32x1000xf32> -> vector<32x1000xf32>
    %add3A_94 = arith.constant 5000 : i32
    %add3A_95 = vector.broadcast %add3A_94 : i32 to vector<32x1000xi32>
    %add3A_96 = arith.addi %iota3A, %add3A_95 : vector<32x1000xi32>
    %lt3A_97 = arith.cmpf olt, %dot_general3A_93, %min3A_82 : vector<32x1000xf32>
    %min3A_98 = arith.minimumf %min3A_82, %dot_general3A_93 : vector<32x1000xf32>
    %select_n3A_99 = arith.select %lt3A_97, %add3A_96, %select_n3A_83 : vector<32x1000xi1>, vector<32x1000xi32>
    %slice3A_100 = vector.extract_strided_slice %get3A_3 {offsets = [6, 0], sizes = [1, 1000], strides = [1, 1]} : vector<8x1000xf32> to vector<1x1000xf32>
    %slice3A_101 = vector.extract_strided_slice %get3A_6 {offsets = [6, 0], sizes = [1, 1000], strides = [1, 1]} : vector<8x1000xf32> to vector<1x1000xf32>
    %slice3A_102 = vector.extract_strided_slice %get3A_9 {offsets = [6, 0], sizes = [1, 1000], strides = [1, 1]} : vector<8x1000xf32> to vector<1x1000xf32>
    %slice3A_103 = vector.extract_strided_slice %add3A_12 {offsets = [6, 0], sizes = [1, 1000], strides = [1, 1]} : vector<8x1000xf32> to vector<1x1000xf32>
    %concatenate3A_104 = tpu.concatenate %slice3A_100, %slice3A_101, %slice3A_102, %slice3A_103 in 0 : vector<1x1000xf32>, vector<1x1000xf32>, vector<1x1000xf32>, vector<1x1000xf32> -> vector<4x1000xf32>
    %get3A_105 = arith.constant 0 : index
    %get3A_106 = arith.constant 0 : index
    %get3A_107 = vector.load %arg6[%get3A_105, %get3A_106] : memref<32x4xf32, #tpu.memory_space<vmem>>, vector<32x4xf32>
    %dot_general3A_108 = arith.constant dense<0.000000e+00> : vector<32x1000xf32>
    %dot_general3A_109 = tpu.matmul %get3A_107, %concatenate3A_104, %dot_general3A_108 {dimension_numbers = #tpu.dot_dimension_numbers<[1], [0], [0], [1], [0, 0, 1, 1], [], []>, precision = #tpu.contract_precision<fp32>, transpose_lhs_hint = false} : vector<32x4xf32>, vector<4x1000xf32>, vector<32x1000xf32> -> vector<32x1000xf32>
    %add3A_110 = arith.constant 6000 : i32
    %add3A_111 = vector.broadcast %add3A_110 : i32 to vector<32x1000xi32>
    %add3A_112 = arith.addi %iota3A, %add3A_111 : vector<32x1000xi32>
    %lt3A_113 = arith.cmpf olt, %dot_general3A_109, %min3A_98 : vector<32x1000xf32>
    %min3A_114 = arith.minimumf %min3A_98, %dot_general3A_109 : vector<32x1000xf32>
    %select_n3A_115 = arith.select %lt3A_113, %add3A_112, %select_n3A_99 : vector<32x1000xi1>, vector<32x1000xi32>
    %slice3A_116 = vector.extract_strided_slice %get3A_3 {offsets = [7, 0], sizes = [1, 1000], strides = [1, 1]} : vector<8x1000xf32> to vector<1x1000xf32>
    %slice3A_117 = vector.extract_strided_slice %get3A_6 {offsets = [7, 0], sizes = [1, 1000], strides = [1, 1]} : vector<8x1000xf32> to vector<1x1000xf32>
    %slice3A_118 = vector.extract_strided_slice %get3A_9 {offsets = [7, 0], sizes = [1, 1000], strides = [1, 1]} : vector<8x1000xf32> to vector<1x1000xf32>
    %slice3A_119 = vector.extract_strided_slice %add3A_12 {offsets = [7, 0], sizes = [1, 1000], strides = [1, 1]} : vector<8x1000xf32> to vector<1x1000xf32>
    %concatenate3A_120 = tpu.concatenate %slice3A_116, %slice3A_117, %slice3A_118, %slice3A_119 in 0 : vector<1x1000xf32>, vector<1x1000xf32>, vector<1x1000xf32>, vector<1x1000xf32> -> vector<4x1000xf32>
    %get3A_121 = arith.constant 0 : index
    %get3A_122 = arith.constant 0 : index
    %get3A_123 = vector.load %arg6[%get3A_121, %get3A_122] : memref<32x4xf32, #tpu.memory_space<vmem>>, vector<32x4xf32>
    %dot_general3A_124 = arith.constant dense<0.000000e+00> : vector<32x1000xf32>
    %dot_general3A_125 = tpu.matmul %get3A_123, %concatenate3A_120, %dot_general3A_124 {dimension_numbers = #tpu.dot_dimension_numbers<[1], [0], [0], [1], [0, 0, 1, 1], [], []>, precision = #tpu.contract_precision<fp32>, transpose_lhs_hint = false} : vector<32x4xf32>, vector<4x1000xf32>, vector<32x1000xf32> -> vector<32x1000xf32>
    %add3A_126 = arith.constant 7000 : i32
    %add3A_127 = vector.broadcast %add3A_126 : i32 to vector<32x1000xi32>
    %add3A_128 = arith.addi %iota3A, %add3A_127 : vector<32x1000xi32>
    %lt3A_129 = arith.cmpf olt, %dot_general3A_125, %min3A_114 : vector<32x1000xf32>
    %min3A_130 = arith.minimumf %min3A_114, %dot_general3A_125 : vector<32x1000xf32>
    %select_n3A_131 = arith.select %lt3A_129, %add3A_128, %select_n3A_115 : vector<32x1000xi1>, vector<32x1000xi32>
    %reduce_min3A = arith.constant dense<0x7F800000> : vector<32xf32>
    %reduce_min3A_132 = vector.multi_reduction <minimumf>, %min3A_130, %reduce_min3A [1] : vector<32x1000xf32> to vector<32xf32>
    %broadcast_in_dim3A = vector.shape_cast %reduce_min3A_132 : vector<32xf32> to vector<32x1xf32>
    %le3A = vector.broadcast %broadcast_in_dim3A : vector<32x1xf32> to vector<32x1000xf32>
    %le3A_133 = arith.cmpf ole, %min3A_130, %le3A : vector<32x1000xf32>
    %jit3A = arith.constant 1073741824 : i32
    %broadcast_in_dim3A_134 = vector.broadcast %jit3A : i32 to vector<32x1000xi32>
    %select_n3A_135 = arith.select %le3A_133, %select_n3A_131, %broadcast_in_dim3A_134 : vector<32x1000xi1>, vector<32x1000xi32>
    %reduce_min3A_136 = arith.constant dense<2147483647> : vector<32xi32>
    %reduce_min3A_137 = vector.multi_reduction <minsi>, %select_n3A_135, %reduce_min3A_136 [1] : vector<32x1000xi32> to vector<32xi32>
    %broadcast_in_dim3A_138 = vector.shape_cast %reduce_min3A_137 : vector<32xi32> to vector<32x1xi32>
    %mul3A_139 = arith.constant 8000 : i32
    %mul3A_140 = arith.muli %arg0, %mul3A_139 : i32
    %add3A_141 = vector.broadcast %mul3A_140 : i32 to vector<32x1xi32>
    %add3A_142 = arith.addi %broadcast_in_dim3A_138, %add3A_141 : vector<32x1xi32>
    %get3A_143 = arith.constant 0 : index
    %get3A_144 = arith.constant 0 : index
    %get3A_145 = vector.load %arg7[%get3A_143, %get3A_144] : memref<32x1xf32, #tpu.memory_space<vmem>>, vector<32x1xf32>
    %lt3A_146 = arith.cmpf olt, %broadcast_in_dim3A, %get3A_145 : vector<32x1xf32>
    %get3A_147 = arith.constant 0 : index
    %get3A_148 = arith.constant 0 : index
    %get3A_149 = vector.load %arg7[%get3A_147, %get3A_148] : memref<32x1xf32, #tpu.memory_space<vmem>>, vector<32x1xf32>
    %select_n3A_150 = arith.select %lt3A_146, %broadcast_in_dim3A, %get3A_149 : vector<32x1xi1>, vector<32x1xf32>
    %swap3A = arith.constant 0 : index
    %swap3A_151 = arith.constant 0 : index
    %swap3A_152 = vector.load %arg7[%swap3A, %swap3A_151] : memref<32x1xf32, #tpu.memory_space<vmem>>, vector<32x1xf32>
    tpu.vector_store %arg7[%swap3A, %swap3A_151], %select_n3A_150 {strides = array<i32>} : memref<32x1xf32, #tpu.memory_space<vmem>>, vector<32x1xf32>,
    %get3A_153 = arith.constant 0 : index
    %get3A_154 = arith.constant 0 : index
    %get3A_155 = vector.load %arg8[%get3A_153, %get3A_154] : memref<32x1xi32, #tpu.memory_space<vmem>>, vector<32x1xi32>
    %select_n3A_156 = arith.select %lt3A_146, %add3A_142, %get3A_155 : vector<32x1xi1>, vector<32x1xi32>
    %swap3A_157 = arith.constant 0 : index
    %swap3A_158 = arith.constant 0 : index
    %swap3A_159 = vector.load %arg8[%swap3A_157, %swap3A_158] : memref<32x1xi32, #tpu.memory_space<vmem>>, vector<32x1xi32>
    tpu.vector_store %arg8[%swap3A_157, %swap3A_158], %select_n3A_156 {strides = array<i32>} : memref<32x1xi32, #tpu.memory_space<vmem>>, vector<32x1xi32>,
    %get3A_160 = arith.constant 0 : index
    %get3A_161 = arith.constant 0 : index
    %get3A_162 = vector.load %arg8[%get3A_160, %get3A_161] : memref<32x1xi32, #tpu.memory_space<vmem>>, vector<32x1xi32>
    %broadcast_in_dim3A_163 = vector.shape_cast %get3A_162 : vector<32x1xi32> to vector<32x1xi32>
    %broadcast_in_dim3A_164 = vector.broadcast %broadcast_in_dim3A_163 : vector<32x1xi32> to vector<32x128xi32>
    %swap3A_165 = arith.constant 0 : index
    %swap3A_166 = arith.constant 0 : index
    %swap3A_167 = vector.load %arg5[%swap3A_165, %swap3A_166] : memref<32x128xi32, #tpu.memory_space<vmem>>, vector<32x128xi32>
    tpu.vector_store %arg5[%swap3A_165, %swap3A_166], %broadcast_in_dim3A_164 {strides = array<i32>} : memref<32x128xi32, #tpu.memory_space<vmem>>, vector<32x128xi32>,
    return
  }
  func.func @transform_0(%arg0: i32) -> (i32, i32) {
    %c0_i32 = arith.constant 0 : i32
    %c0_i32_0 = arith.constant 0 : i32
    return %arg0, %c0_i32 : i32, i32
  }
  func.func @transform_1(%arg0: i32) -> (i32, i32) {
    %c0_i32 = arith.constant 0 : i32
    %c0_i32_0 = arith.constant 0 : i32
    return %arg0, %c0_i32 : i32, i32
  }
  func.func @transform_2(%arg0: i32) -> (i32, i32) {
    %c0_i32 = arith.constant 0 : i32
    %c0_i32_0 = arith.constant 0 : i32
    return %arg0, %c0_i32 : i32, i32
  }
  func.func @transform_3(%arg0: i32) -> (i32, i32) {
    %c0_i32 = arith.constant 0 : i32
    %c0_i32_0 = arith.constant 0 : i32
    %c0_i32_1 = arith.constant 0 : i32
    return %c0_i32, %c0_i32_0 : i32, i32
  }
  func.func @transform_4(%arg0: i32) -> (i32, i32) {
    %c0_i32 = arith.constant 0 : i32
    %c0_i32_0 = arith.constant 0 : i32
    %c0_i32_1 = arith.constant 0 : i32
    return %c0_i32, %c0_i32_0 : i32, i32
  }
}

</mosaic_0001>

<sc_bundles>
// kernel: kernel.4.cloned.1.call-start
scs
__scs_entry_jumppad:
0x0: {  	(pc) =	sbr.rel $0x88, $3  }
0x1: {  	(tag) =	ssettag $0x0;
	lr =	simm.s32 $0x1  }
0x2: {  	[smem:$0x3F9F] =	sst lr;
	_ =	strace $0xD0000000  }
0x3: {  	_ = 	snop  }
0x4: {  	_ = 	snop  }
0x5: {  	_ = 	snop  }
0x6: {  	_ = 	snop  }
0x7: {  	_ = 	snop  }
__scs_overlays_trampoline_lowered:
0x8: {  	[smem:$0x3FAE] =	sst s0  }
0x9: {  	[smem:$0x3FAF] =	sst s1  }
0xa: {  	[smem:$0x3FB0] =	sst s2  }
0xb: {  	[smem:$0x3FB1] =	sst s3  }
0xc: {  	[smem:$0x3FB2] =	sst s4  }
0xd: {  	[smem:$0x3FB3] =	sst s5  }
0xe: {  	[smem:$0x3FB4] =	sst s6  }
0xf: {  	[smem:$0x3FB5] =	sst s7  }
0x10: {  	[smem:$0x3FB6] =	sst s8  }
0x11: {  	[smem:$0x3FB7] =	sst s9;
	s0 =	simm.s32 @!p0 $0x0  }
0x12: {  	s1 =	sld [smem:$0x3F9D];
	s0 =	simm.s32 @p0 $0x1  }
0x13: {  	[smem:$0x3FB8] =	sst s0;
	s0 =	simm.s32 @!p1 $0x0  }
0x14: {  	s2 =	sld [smem:$0x3F9C];
	s0 =	simm.s32 @p1 $0x1  }
0x15: {  	[smem:$0x3FB9] =	sst s0;
	s0 =	simm.s32 @!p2 $0x0  }
0x16: {  	s3 =	sld [smem:$0x3FDB];
	s0 =	simm.s32 @p2 $0x1  }
0x17: {  	s4 =	simm.s32 $0x1BF5;
	[smem:$0x3FBB] =	sst s0  }
0x18: {  	s0 =	sld [smem:$0x3F9E];
	_ =	swait.ge [sflag:s4], $0x0  }
0x19: {  	s7 =	sld [smem:$0x3F9F]  }
0x1a: {  	s8 =	sadd.s32 $0xFFFFE003, lr  }
0x1b: {  	s9 =	sadd.s32 $0xFFFFFEF7, lr;
	s5 =	simm.s32 $0xFFFFFFFF;
	p2 =	slt.u32 s8, $0xFFFFF086  }
0x1c: {  	p1 =	slt.u32 s9, $0xF7A;
	s5 =	simm.s32 @!p2 $0x0  }
0x1d: {  	s5 =	simm.s32 @p1 $0x1;
	p0 =	seq.s32 s7, s2  }
0x1e: {  	s7 =	smul.u32 @!p0 $0xF7A, s2;
	p2 =	seq.s32 @!p0 s5, $0x0  }
0x1f: {  	s9 =	smul.u32 $0xF7A, s1;
	s8 =	simm.s32 @!p0 $0x1BF5;
	p2 =	por !p2, p0  }
0x20: {  	[sflag:s8] =	ssyncset.s32 @!p0 $0xFFFFF086;
	s6 =	sadd.s32 @!p0 s3, s7;
	s7 =	simm.s32 @!p0 $0x108  }
0x21: {  	s3 =	sadd.s32 s3, s9;
	s6 =	sadd.s32 @!p0 $0x88, s6;
	s7 =	simm.s32 @p2 $0x1082  }
0x22: {  	[simem:s7], [sflag:s8] =	dma.local @!p0 [hbm:s6], $0xF7A  }
0x23: {  	s9 =	sor.u32 $0xD0000000, s2;
	s6 =	simm.s32 $0x108;
	_ =	swait.ge @!p0 [sflag:s8], $0x0  }
0x24: {  	s3 =	sadd.s32 $0x88, s3;
	s6 =	simm.s32 @!p1 $0x1082;
	[sflag:s4] =	ssyncset.s32 $0xFFFFF086  }
0x25: {  	[simem:s6], [sflag:s4] =	dma.local [hbm:s3], $0xF7A  }
0x26: {  	[smem:$0x3F9F] =	sst s1;
	(tag) =	ssettag s2;
	_ =	strace s9  }
0x27: {  	s1 =	sld [smem:$0x3FAF]  }
0x28: {  	s2 =	sld [smem:$0x3FB0]  }
0x29: {  	s4 =	sld [smem:$0x3FB2]  }
0x2a: {  	p0 =	seq.s32 s5, $0x0;
	s5 =	sld [smem:$0x3FB3]  }
0x2b: {  	s6 =	sld [smem:$0x3FB4]  }
0x2c: {  	s7 =	sld [smem:$0x3FB5]  }
0x2d: {  	s3 =	simm.s32 $0x108;
	s8 =	sld [smem:$0x3FB6]  }
0x2e: {  	s3 =	simm.s32 @!p0 $0x1082;
	s9 =	sld [smem:$0x3FB7]  }
0x2f: {  	lr =	sadd.s32 s0, s3;
	s0 =	sld [smem:$0x3FAE]  }
0x30: {  	s3 =	sld [smem:$0x3FB1]  }
0x31: {  	[smem:$0x3FBA] =	sst s10  }
0x32: {  	s10 =	sld [smem:$0x3FB8];
	_ =	sdelay $0x3  }
0x33: {  	p0 =	seq.s32 s10, $0x1;
	s10 =	sld [smem:$0x3FBA];
	_ =	sdelay $0x3  }
0x34: {  	[smem:$0x3FBA] =	sst s10  }
0x35: {  	s10 =	sld [smem:$0x3FB9];
	_ =	sdelay $0x3  }
0x36: {  	p1 =	seq.s32 s10, $0x1;
	s10 =	sld [smem:$0x3FBA];
	_ =	sdelay $0x3  }
0x37: {  	[smem:$0x3FBA] =	sst s10  }
0x38: {  	s10 =	sld [smem:$0x3FBB]  }
0x39: {  	_ = 	snop;
	(pc) =	sbr.ind lr, $3  }
0x3a: {  	_ = 	snop  }
0x3b: {  	_ = 	snop  }
0x3c: {  	p2 =	seq.s32 s10, $0x1;
	s10 =	sld [smem:$0x3FBA]  }
0x3d: {  	_ =	shalt  }
0x3e: {  	_ =	shalt  }
0x3f: {  	_ =	shalt  }
0x40: {  	_ =	shalt  }
0x41: {  	_ =	shalt  }
0x42: {  	_ =	shalt  }
0x43: {  	_ =	shalt  }
0x44: {  	_ =	shalt  }
0x45: {  	_ =	shalt  }
0x46: {  	_ =	shalt  }
0x47: {  	_ =	shalt  }
0x48: {  	_ =	shalt  }
0x49: {  	_ =	shalt  }
0x4a: {  	_ =	shalt  }
0x4b: {  	_ =	shalt  }
0x4c: {  	_ =	shalt  }
0x4d: {  	_ =	shalt  }
0x4e: {  	_ =	shalt  }
0x4f: {  	_ =	shalt  }
0x50: {  	_ =	shalt  }
0x51: {  	_ =	shalt  }
0x52: {  	_ =	shalt  }
0x53: {  	_ =	shalt  }
0x54: {  	_ =	shalt  }
0x55: {  	_ =	shalt  }
0x56: {  	_ =	shalt  }
0x57: {  	_ =	shalt  }
0x58: {  	_ =	shalt  }
0x59: {  	_ =	shalt  }
0x5a: {  	_ =	shalt  }
0x5b: {  	_ =	shalt  }
0x5c: {  	_ =	shalt  }
0x5d: {  	_ =	shalt  }
0x5e: {  	_ =	shalt  }
0x5f: {  	_ =	shalt  }
0x60: {  	_ =	shalt  }
0x61: {  	_ =	shalt  }
0x62: {  	_ =	shalt  }
0x63: {  	_ =	shalt  }
0x64: {  	_ =	shalt  }
0x65: {  	_ =	shalt  }
0x66: {  	_ =	shalt  }
0x67: {  	_ =	shalt  }
0x68: {  	_ =	shalt  }
0x69: {  	_ =	shalt  }
0x6a: {  	_ =	shalt  }
0x6b: {  	_ =	shalt  }
0x6c: {  	_ =	shalt  }
0x6d: {  	_ =	shalt  }
0x6e: {  	_ =	shalt  }
0x6f: {  	_ =	shalt  }
0x70: {  	_ =	shalt  }
0x71: {  	_ =	shalt  }
0x72: {  	_ =	shalt  }
0x73: {  	_ =	shalt  }
0x74: {  	_ =	shalt  }
0x75: {  	_ =	shalt  }
0x76: {  	_ =	shalt  }
0x77: {  	_ =	shalt  }
0x78: {  	_ =	shalt  }
0x79: {  	_ =	shalt  }
0x7a: {  	_ =	shalt  }
0x7b: {  	_ =	shalt  }
0x7c: {  	_ =	shalt  }
0x7d: {  	_ =	shalt  }
0x7e: {  	_ =	shalt  }
0x7f: {  	_ =	shalt  }
0x80: {  	_ =	shalt  }
0x81: {  	_ =	shalt  }
0x82: {  	_ =	shalt  }
0x83: {  	_ =	shalt  }
0x84: {  	_ =	shalt  }
0x85: {  	_ =	shalt  }
0x86: {  	_ =	shalt  }
0x87: {  	_ =	shalt  }
.Lfunc_end0:
.L_simem_size_0:
called_computation_lowered:
.L_overlay_start_0:
0x88: {  	s2 =	sld [smem:$0x3FD9]  }
0x89: {  	s3 =	sld [smem:$0x3FFE];
	_ =	sdelay $0x1  }
0x8a: {  	s1 =	srdreg.scid  }
0x8b: {  	s0 =	sand.u32 $0x1, s1  }
0x8c: {  	s14 =	sshll.u32 s0, $0xA;
	s2 =	sadd.s32 s3, s2  }
0x8d: {  	s2 =	sadd.s32 s2, s14  }
0x8e: {  	[smem:$0x3FC6] =	sst s2  }
0x8f: {  	_ = 	snop  }
0x90: {  	s2 =	sld [smem:$0x3FD0];
	_ =	sdelay $0x2  }
0x91: {  	s15 =	simm.s32 $0xA;
	s4 =	simm.s32 $0x10  }
0x92: {  	[smem:s4], [sflag:s15] =	dma.local [hbm:s2], $0x1  }
0x93: {  	_ =	swait.eq [sflag:s15], $0x1  }
0x94: {  	[sflag:s15] =	ssyncset.done $0x0  }
0x95: {  	s16 =	sld [smem:$0x10];
	[sflag:s15] =	ssyncadd.s32 $0xFFFFFFFF  }
0x96: {  	s17 =	sld [smem:$0x11];
	(tm) =	ssettm $0x1  }
0x97: {  	s18 =	sld [smem:$0x3FFB];
	_ =	sdelay $0x3  }
0x98: {  	_ =	strace s18  }
0x99: {  	s4 =	sld [smem:$0x3FFC];
	_ =	sdelay $0x3  }
0x9a: {  	_ =	strace s4  }
0x9b: {  	s4 =	sld [smem:$0x3FFD];
	_ =	sdelay $0x3  }
0x9c: {  	_ =	strace s4  }
0x9d: {  	_ =	strace $0x8FFFFFFF  }
0x9e: {  	s19 =	sld [smem:$0x3FDB];
	_ =	sdelay $0x1  }
0x9f: {  	s5 =	simm.s32 $_scs_section_size  }
0xa0: {  	s6 =	simm.s32 $_size__tile_overlayer_lowered;
	s7 =	simm.s32 $_tile_overlayer_lowered  }
0xa1: {  	s22 =	simm.s32 $0x1BFF;
	s21 =	sshll.u32 s7, $0x1;
	s4 =	sadd.s32 s5, s19  }
0xa2: {  	s8 =	simm.s32 $0x0;
	s20 =	sshll.u32 s6, $0x1;
	s6 =	sadd.s32 s21, s4  }
0xa3: {  	[timem:s8], [sflag:s22] =	dma.local [hbm:s6], s20  }
0xa4: {  	_ =	swait.ge [sflag:s22], s20  }
0xa5: {  	s5 =	ssub.s32 $0x0, s20;
	[sflag:s22] =	ssyncset.done $0x0  }
0xa6: {  	[sflag:s22] =	ssyncadd.s32 s5;
	_ =	sdelay $0x1  }
0xa7: {  	s23 =	simm.s32 $0x1B8B  }
0xa8: {  	_ =	swait.ge [sflag:s23], $0x1  }
0xa9: {  	[sflag:s23] =	ssyncset.done $0x0  }
0xaa: {  	s25 =	simm.s32 $0x1B8E;
	s24 =	sld [smem:$0x3FFE];
	[sflag:s23] =	ssyncadd.s32 $0xFFFFFFFF  }
0xab: {  	s26 =	simm.s32 $execute0_lowered;
	[smem:$0x3FD2] =	sst s25  }
0xac: {  	s6 =	sshll.u32 s26, $0x1;
	_ =	strace $0x80000046;
	[dreg:$0x1] =	wrdreg $0xFFFFFFFF  }
0xad: {  	s28 =	simm.s32 $_size_execute0_lowered;
	s4 =	sadd.s32 s4, s6;
	[dreg:$0x0] =	wrdreg $0x0  }
0xae: {  	s6 =	sshll.u32 s28, $0x1;
	[dreg:$0x2] =	wrdreg s4  }
0xaf: {  	[dreg:$0x3] =	wrdreg s6  }
0xb0: {  	[dreg:$0x4] =	wrdreg $0xC0  }
0xb1: {  	_ =	task [dreg:s8], $0x5FFFF  }
0xb2: {  	[dreg:$0x1] =	wrdreg $0xFFFFFFFF  }
0xb3: {  	[dreg:$0x0] =	wrdreg $0x60  }
0xb4: {  	[dreg:$0x2] =	wrdreg s17  }
0xb5: {  	[dreg:$0x3] =	wrdreg s24  }
0xb6: {  	[dreg:$0x4] =	wrdreg s16  }
0xb7: {  	[dreg:$0x5] =	wrdreg $0x9  }
0xb8: {  	_ =	task.clear_ibuf [dreg:s8], $0x6FFFF;
	_ =	strace $0x90000046  }
0xb9: {  	s29 =	simm.s32 $0x9;
	_ =	strace $0x80000048  }
0xba: {  	_ =	swait.ge [sflag:s29], $0x1  }
0xbb: {  	[sflag:s29] =	ssyncadd.s32 $0xFFFFFFFF  }
0xbc: {  	_ =	strace $0x90000048  }
0xbd: {  	_ =	sfence  }
0xbe: {  	s30 =	sld [smem:$0x0];
	_ =	sdelay $0x2  }
0xbf: {  	s31 =	sshll.u32 s1, $0xD;
	s1 =	sshrl.u32 s1, $0x2  }
0xc0: {  	s3 =	sand.u32 $0x4000, s31;
	s1 =	sadd.s32 s1, s30  }
0xc1: {  	s0 =	sor.u32 s3, s0;
	s1 =	sshll.u32 s1, $0x11  }
0xc2: {  	s0 =	sor.u32 s1, s0  }
0xc3: {  	s0 =	sadd.s32 $0x8F2B, s0  }
0xc4: {  	[sflag:s0] =	ssyncadd.remote.s32 $0x1  }
0xc5: {  	_ =	sfence.sel $0xFFFF  }
0xc6: {  	[dreg:$0x0] =	wrdreg $0xFFFFFFFF;
	(pc) =	sbr.abs _section_cstart, $3  }
0xc7: {  	[dreg:$0x1] =	wrdreg $0xFFFFFFFF  }
0xc8: {  	_ =	task.clear_ibuf [dreg:s8], $0x2FFFF;
	_ =	strace $0x9FFFFFFF  }
0xc9: {  	(tm) =	ssettm $0x7FFFFFFF  }
tec
execute0_lowered:
.L_overlay_start_1:
0x0: {  	(tag) =	ssettag $0x1  }
0x1: {  	s0 =	srdreg.scid  }
0x2: {  	s5 =	sand.u32 $0x1, s0;
	s0 =	stileid.u32  }
0x3: {  	s6 =	sor.u32 s0, s5  }
0x4: {  	p0 =	sne.s32 s6, $0x0  }
.Ltmp0:
0x5: {  	_ = 	snop;
	(pc) =	sbr.rel @p0 .LBB2_3-.Ltmp0, $4  }
0x6: {  	s1 =	rddreg [dreg:$0x0]  }
0x7: {  	s3 =	rddreg [dreg:$0x1]  }
0x8: {  	s4 =	rddreg [dreg:$0x2]  }
0x9: {  	s2 =	rddreg [dreg:$0x3];
	_ =	strace $0x80000047  }
0xa: {  	v0 =	vlaneseq.u32;
	v1 =	vimm.s32 $0x7;
	v2 =	vimm.s32 $0x3  }
0xb: {  	v5 =	vimm.s32 $0x1;
	v8 =	vimm.s32 $0x2;
	v10 =	vimm.f32 $1.000000000e+00  }
0xc: {  	v11 =	vimm.s32 $0x4;
	v12 =	vimm.s32 $0x5;
	v13 =	vimm.s32 $0x6  }
0xd: {  	v14 =	vimm.s32 $0x8;
	v15 =	vimm.s32 $0x9;
	v16 =	vimm.s32 $0xA  }
0xe: {  	v17 =	vimm.s32 $0xB;
	v18 =	vimm.s32 $0xC;
	v19 =	vimm.s32 $0xD  }
0xf: {  	v20 =	vimm.s32 $0xE;
	v21 =	vimm.s32 $0xF;
	v22 =	vimm.s32 $0x10  }
0x10: {  	v23 =	vimm.s32 $0x11;
	v24 =	vimm.s32 $0x12;
	v25 =	vimm.s32 $0x13  }
0x11: {  	v26 =	vimm.s32 $0x14;
	v27 =	vimm.s32 $0x15;
	v28 =	vimm.s32 $0x16  }
0x12: {  	v29 =	vimm.s32 $0x17;
	v30 =	vimm.s32 $0x18;
	v31 =	vimm.s32 $0x19  }
0x13: {  	s5 =	ssub.s32 $0x2, s5;
	v32 =	vimm.s32 $0x1A;
	v33 =	vimm.s32 $0x1B;
	v0 =	vmul.u32 $0x80, v0  }
0x14: {  	s7 =	simm.s32 $0x2;
	s8 =	simm.s32 $0x20;
	s9 =	simm.s32 $0x80;
	v34 =	vimm.s32 $0x1C;
	v35 =	vimm.s32 $0x1D;
	v36 =	vimm.s32 $0x1E  }
0x15: {  	s10 =	simm.s32 $0x200;
	s11 =	simm.s32 $0x1;
	v37 =	vimm.s32 $0x1F;
	s6 =	sshrl.u32 s5, $0x1;
	v3 =	vor.u32 $0x800, v0;
	v4 =	vor.u32 $0x1, v0  }
0x16: {  	s12 =	simm.s32 $0x1200;
	s5 =	ssub.s32 s5, s6;
	s6 =	simm.s32 $0x0;
	v6 =	vor.u32 $0x801, v0;
	v7 =	vor.u32 $0x2, v0;
	v9 =	vor.u32 $0x802, v0  }
.LBB2_2:
0x17: {  	[tilespmem:s6], [sflag:$0x2] =	stream.linear.gather [hbm4b:s1+s6], $0x80, $0x38;
	[tilespmem:$0x2200] =	vst v63  }
0x18: {  	_ =	swait.ge [sflag:s7], $0x80  }
0x19: {  	[sflag:s7] =	ssyncset.done $0x0  }
0x1a: {  	[sflag:s7] =	ssyncadd.s32 $0xFFFFFF80  }
0x1b: {  	v38 =	vld [tilespmem:$0x0]  }
0x1c: {  	v39 =	vld [tilespmem:$0x0]  }
0x1d: {  	v40 =	vld [tilespmem:$0x10]  }
0x1e: {  	v41 =	vld [tilespmem:$0x10];
	_ =	sdelay $0x1  }
0x1f: {  	v38 =	vshll.u32 v38, $0x2  }
0x20: {  	v39 =	vshll.u32 v39, $0x2;
	v42 =	vshrl.u32 v38, $0x7  }
0x21: {  	v62 =	vshll.u32 v40, $0x2;
	v61 =	vand.u32 $0x7C, v39;
	[tilespmem:$0x80] =	vst v42  }
0x22: {  	v43 =	vshll.u32 v41, $0x2;
	v63 =	vshrl.u32 v62, $0x7;
	[tilespmem:$0x180] =	vst v61  }
0x23: {  	v38 =	vand.u32 $0x7C, v38;
	v44 =	vand.u32 $0x7C, v43;
	[tilespmem:$0x90] =	vst v63  }
0x24: {  	v39 =	vand.u32 $0x7C, v62;
	v38 =	vor.u32 $0x3, v38;
	[tilespmem:$0x190] =	vst v44  }
0x25: {  	v42 =	vor.u32 $0x3, v39;
	[tilespmem:$0x100] =	vst v38  }
0x26: {  	[tilespmem:$0x110] =	vst v42  }
0x27: {  	[tilespmem:s10], [sflag:$0x1] =	stream.indirect.gather [hbm4b:s3+s8], $0x80, s9, s8, $0xb8;
	[tilespmem:$0x2200] =	vst v63  }
0x28: {  	_ =	swait.ge [sflag:s11], $0x1000  }
0x29: {  	[sflag:s11] =	ssyncset.done $0x0  }
0x2a: {  	[sflag:s11] =	ssyncadd.s32 $0xFFFFF000  }
0x2b: {  	v45 =	vld [tilespmem:$0x180];
	_ =	sdelay $0x4  }
0x2c: {  	v38 =	vadd.s32 v0, v45;
	_ =	sdelay $0x4  }
0x2d: {  	v38 =	vld.idx.msk [tilespmem:v38+s10+$0x0], $0xffff;
	_ =	sdelay $0x4  }
0x2e: {  	[tilespmem:v0+s12+$0x0] =	vst.idx.msk $0xffff, v38  }
0x2f: {  	v38 =	vld [tilespmem:$0x190];
	_ =	sdelay $0x4  }
0x30: {  	v38 =	vadd.s32 v3, v38;
	_ =	sdelay $0x4  }
0x31: {  	v38 =	vld.idx.msk [tilespmem:v38+s10+$0x0], $0xffff;
	_ =	sdelay $0x4  }
0x32: {  	[tilespmem:v3+s12+$0x0] =	vst.idx.msk $0xffff, v38  }
0x33: {  	v38 =	vld [tilespmem:$0x180];
	_ =	sdelay $0x4  }
0x34: {  	v38 =	vadd.s32 v4, v38;
	_ =	sdelay $0x4  }
0x35: {  	v38 =	vld.idx.msk [tilespmem:v38+s10+$0x0], $0xffff;
	_ =	sdelay $0x4  }
0x36: {  	[tilespmem:v4+s12+$0x0] =	vst.idx.msk $0xffff, v38  }
0x37: {  	v38 =	vld [tilespmem:$0x190];
	_ =	sdelay $0x4  }
0x38: {  	v38 =	vadd.s32 v6, v38;
	_ =	sdelay $0x4  }
0x39: {  	v38 =	vld.idx.msk [tilespmem:v38+s10+$0x0], $0xffff;
	_ =	sdelay $0x4  }
0x3a: {  	[tilespmem:v6+s12+$0x0] =	vst.idx.msk $0xffff, v38  }
0x3b: {  	v38 =	vld [tilespmem:$0x180];
	_ =	sdelay $0x4  }
0x3c: {  	v38 =	vadd.s32 v7, v38;
	_ =	sdelay $0x4  }
0x3d: {  	v38 =	vld.idx.msk [tilespmem:v38+s10+$0x0], $0xffff;
	_ =	sdelay $0x4  }
0x3e: {  	[tilespmem:v7+s12+$0x0] =	vst.idx.msk $0xffff, v38  }
0x3f: {  	v38 =	vld [tilespmem:$0x190];
	_ =	sdelay $0x4  }
0x40: {  	v38 =	vadd.s32 v9, v38;
	_ =	sdelay $0x4  }
0x41: {  	v38 =	vld.idx.msk [tilespmem:v38+s10+$0x0], $0xffff;
	_ =	sdelay $0x4  }
0x42: {  	[tilespmem:v9+s12+$0x0] =	vst.idx.msk $0xffff, v38  }
0x43: {  	[hbm4b:s4+s6] =	stream.linear.scatter [tilespmem:s12], [sflag:$0x2], $0x1000, $0x38;
	[tilespmem:$0x2200] =	vst v63  }
0x44: {  	_ =	swait.ge [sflag:s7], $0x1000  }
0x45: {  	[sflag:s7] =	ssyncset.done $0x0  }
0x46: {  	[sflag:s7] =	ssyncadd.s32 $0xFFFFF000  }
0x47: {  	v46 =	vld.msk [tilespmem:s9+$0x0], $0xffff  }
0x48: {  	v47 =	vld [tilespmem:$0x80];
	_ =	sdelay $0x2  }
0x49: {  	v48 =	vld [tilespmem:$0x100];
	_ =	sdelay $0x1  }
0x4a: {  	vm0 =	veq.s32 v47, v46;
	_ =	sdelay $0x5  }
0x4b: {  	[tilespmem:v48+s10+$0x0] =	vst.idx.msk vm0, v10  }
0x4c: {  	v49 =	vld [tilespmem:$0x90];
	_ =	sdelay $0x2  }
0x4d: {  	v40 =	vld [tilespmem:$0x110];
	_ =	sdelay $0x1  }
0x4e: {  	vm13 =	veq.s32 v49, v46;
	_ =	sdelay $0x5  }
0x4f: {  	[tilespmem:v40+s10+$0x0] =	vst.idx.msk vm13, v10  }
0x50: {  	v50 =	vld.idx.msk [tilespmem:v5+s9+$0x0], $0xffff  }
0x51: {  	v51 =	vld [tilespmem:$0x80]  }
0x52: {  	v40 =	vld [tilespmem:$0x100];
	_ =	sdelay $0x3  }
0x53: {  	vm14 =	veq.s32 v51, v50  }
0x54: {  	v52 =	vadd.s32 $0x80, v40;
	_ =	sdelay $0x4  }
0x55: {  	[tilespmem:v52+s10+$0x0] =	vst.idx.msk vm14, v10  }
0x56: {  	v39 =	vld [tilespmem:$0x90]  }
0x57: {  	v53 =	vld [tilespmem:$0x110];
	_ =	sdelay $0x3  }
0x58: {  	vm15 =	veq.s32 v39, v50  }
0x59: {  	v54 =	vadd.s32 $0x80, v53;
	_ =	sdelay $0x4  }
0x5a: {  	[tilespmem:v54+s10+$0x0] =	vst.idx.msk vm15, v10  }
0x5b: {  	v38 =	vld.idx.msk [tilespmem:v8+s9+$0x0], $0xffff  }
0x5c: {  	v55 =	vld [tilespmem:$0x80]  }
0x5d: {  	v56 =	vld [tilespmem:$0x100];
	_ =	sdelay $0x3  }
0x5e: {  	vm4 =	veq.s32 v55, v38  }
0x5f: {  	v57 =	vadd.s32 $0x100, v56;
	_ =	sdelay $0x4  }
0x60: {  	[tilespmem:v57+s10+$0x0] =	vst.idx.msk vm4, v10  }
0x61: {  	v39 =	vld [tilespmem:$0x90]  }
0x62: {  	v58 =	vld [tilespmem:$0x110];
	_ =	sdelay $0x3  }
0x63: {  	vm5 =	veq.s32 v39, v38  }
0x64: {  	v59 =	vadd.s32 $0x100, v58;
	_ =	sdelay $0x4  }
0x65: {  	[tilespmem:v59+s10+$0x0] =	vst.idx.msk vm5, v10  }
0x66: {  	v38 =	vld.idx.msk [tilespmem:v2+s9+$0x0], $0xffff  }
0x67: {  	v60 =	vld [tilespmem:$0x80]  }
0x68: {  	v61 =	vld [tilespmem:$0x100];
	_ =	sdelay $0x3  }
0x69: {  	vm6 =	veq.s32 v60, v38  }
0x6a: {  	v62 =	vadd.s32 $0x180, v61;
	_ =	sdelay $0x4  }
0x6b: {  	[tilespmem:v62+s10+$0x0] =	vst.idx.msk vm6, v10  }
0x6c: {  	v39 =	vld [tilespmem:$0x90]  }
0x6d: {  	v63 =	vld [tilespmem:$0x110];
	_ =	sdelay $0x3  }
0x6e: {  	vm7 =	veq.s32 v39, v38  }
0x6f: {  	v44 =	vadd.s32 $0x180, v63;
	_ =	sdelay $0x4  }
0x70: {  	[tilespmem:v44+s10+$0x0] =	vst.idx.msk vm7, v10  }
0x71: {  	v38 =	vld.idx.msk [tilespmem:v11+s9+$0x0], $0xffff  }
0x72: {  	v45 =	vld [tilespmem:$0x80]  }
0x73: {  	v46 =	vld [tilespmem:$0x100];
	_ =	sdelay $0x3  }
0x74: {  	vm8 =	veq.s32 v45, v38  }
0x75: {  	v47 =	vadd.s32 $0x200, v46;
	_ =	sdelay $0x4  }
0x76: {  	[tilespmem:v47+s10+$0x0] =	vst.idx.msk vm8, v10  }
0x77: {  	v39 =	vld [tilespmem:$0x90]  }
0x78: {  	v48 =	vld [tilespmem:$0x110];
	_ =	sdelay $0x3  }
0x79: {  	vm9 =	veq.s32 v39, v38  }
0x7a: {  	v49 =	vadd.s32 $0x200, v48;
	_ =	sdelay $0x4  }
0x7b: {  	[tilespmem:v49+s10+$0x0] =	vst.idx.msk vm9, v10  }
0x7c: {  	v38 =	vld.idx.msk [tilespmem:v12+s9+$0x0], $0xffff  }
0x7d: {  	v50 =	vld [tilespmem:$0x80]  }
0x7e: {  	v51 =	vld [tilespmem:$0x100];
	_ =	sdelay $0x3  }
0x7f: {  	vm10 =	veq.s32 v50, v38  }
0x80: {  	v52 =	vadd.s32 $0x280, v51;
	_ =	sdelay $0x4  }
0x81: {  	[tilespmem:v52+s10+$0x0] =	vst.idx.msk vm10, v10  }
0x82: {  	v39 =	vld [tilespmem:$0x90]  }
0x83: {  	v53 =	vld [tilespmem:$0x110];
	_ =	sdelay $0x3  }
0x84: {  	vm11 =	veq.s32 v39, v38  }
0x85: {  	v54 =	vadd.s32 $0x280, v53;
	_ =	sdelay $0x4  }
0x86: {  	[tilespmem:v54+s10+$0x0] =	vst.idx.msk vm11, v10  }
0x87: {  	v38 =	vld.idx.msk [tilespmem:v13+s9+$0x0], $0xffff  }
0x88: {  	v55 =	vld [tilespmem:$0x80]  }
0x89: {  	v56 =	vld [tilespmem:$0x100];
	_ =	sdelay $0x3  }
0x8a: {  	vm12 =	veq.s32 v55, v38  }
0x8b: {  	v57 =	vadd.s32 $0x300, v56;
	_ =	sdelay $0x4  }
0x8c: {  	[tilespmem:v57+s10+$0x0] =	vst.idx.msk vm12, v10  }
0x8d: {  	v39 =	vld [tilespmem:$0x90]  }
0x8e: {  	v58 =	vld [tilespmem:$0x110];
	_ =	sdelay $0x3  }
0x8f: {  	vm13 =	veq.s32 v39, v38  }
0x90: {  	v59 =	vadd.s32 $0x300, v58;
	_ =	sdelay $0x4  }
0x91: {  	[tilespmem:v59+s10+$0x0] =	vst.idx.msk vm13, v10  }
0x92: {  	v38 =	vld.idx.msk [tilespmem:v1+s9+$0x0], $0xffff  }
0x93: {  	v60 =	vld [tilespmem:$0x80]  }
0x94: {  	v61 =	vld [tilespmem:$0x100];
	_ =	sdelay $0x3  }
0x95: {  	vm14 =	veq.s32 v60, v38  }
0x96: {  	v62 =	vadd.s32 $0x380, v61;
	_ =	sdelay $0x4  }
0x97: {  	[tilespmem:v62+s10+$0x0] =	vst.idx.msk vm14, v10  }
0x98: {  	v39 =	vld [tilespmem:$0x90]  }
0x99: {  	v63 =	vld [tilespmem:$0x110];
	_ =	sdelay $0x3  }
0x9a: {  	vm15 =	veq.s32 v39, v38  }
0x9b: {  	v44 =	vadd.s32 $0x380, v63;
	_ =	sdelay $0x4  }
0x9c: {  	[tilespmem:v44+s10+$0x0] =	vst.idx.msk vm15, v10  }
0x9d: {  	v38 =	vld.idx.msk [tilespmem:v14+s9+$0x0], $0xffff  }
0x9e: {  	v45 =	vld [tilespmem:$0x80]  }
0x9f: {  	v46 =	vld [tilespmem:$0x100];
	_ =	sdelay $0x3  }
0xa0: {  	vm4 =	veq.s32 v45, v38  }
0xa1: {  	v47 =	vadd.s32 $0x400, v46;
	_ =	sdelay $0x4  }
0xa2: {  	[tilespmem:v47+s10+$0x0] =	vst.idx.msk vm4, v10  }
0xa3: {  	v39 =	vld [tilespmem:$0x90]  }
0xa4: {  	v48 =	vld [tilespmem:$0x110];
	_ =	sdelay $0x3  }
0xa5: {  	vm5 =	veq.s32 v39, v38  }
0xa6: {  	v49 =	vadd.s32 $0x400, v48;
	_ =	sdelay $0x4  }
0xa7: {  	[tilespmem:v49+s10+$0x0] =	vst.idx.msk vm5, v10  }
0xa8: {  	v38 =	vld.idx.msk [tilespmem:v15+s9+$0x0], $0xffff  }
0xa9: {  	v50 =	vld [tilespmem:$0x80]  }
0xaa: {  	v51 =	vld [tilespmem:$0x100];
	_ =	sdelay $0x3  }
0xab: {  	vm6 =	veq.s32 v50, v38  }
0xac: {  	v52 =	vadd.s32 $0x480, v51;
	_ =	sdelay $0x4  }
0xad: {  	[tilespmem:v52+s10+$0x0] =	vst.idx.msk vm6, v10  }
0xae: {  	v39 =	vld [tilespmem:$0x90]  }
0xaf: {  	v53 =	vld [tilespmem:$0x110];
	_ =	sdelay $0x3  }
0xb0: {  	vm7 =	veq.s32 v39, v38  }
0xb1: {  	v54 =	vadd.s32 $0x480, v53;
	_ =	sdelay $0x4  }
0xb2: {  	[tilespmem:v54+s10+$0x0] =	vst.idx.msk vm7, v10  }
0xb3: {  	v38 =	vld.idx.msk [tilespmem:v16+s9+$0x0], $0xffff  }
0xb4: {  	v55 =	vld [tilespmem:$0x80]  }
0xb5: {  	v56 =	vld [tilespmem:$0x100];
	_ =	sdelay $0x3  }
0xb6: {  	vm8 =	veq.s32 v55, v38  }
0xb7: {  	v57 =	vadd.s32 $0x500, v56;
	_ =	sdelay $0x4  }
0xb8: {  	[tilespmem:v57+s10+$0x0] =	vst.idx.msk vm8, v10  }
0xb9: {  	v39 =	vld [tilespmem:$0x90]  }
0xba: {  	v58 =	vld [tilespmem:$0x110];
	_ =	sdelay $0x3  }
0xbb: {  	vm9 =	veq.s32 v39, v38  }
0xbc: {  	v59 =	vadd.s32 $0x500, v58;
	_ =	sdelay $0x4  }
0xbd: {  	[tilespmem:v59+s10+$0x0] =	vst.idx.msk vm9, v10  }
0xbe: {  	v38 =	vld.idx.msk [tilespmem:v17+s9+$0x0], $0xffff  }
0xbf: {  	v60 =	vld [tilespmem:$0x80]  }
0xc0: {  	v61 =	vld [tilespmem:$0x100];
	_ =	sdelay $0x3  }
0xc1: {  	vm10 =	veq.s32 v60, v38  }
0xc2: {  	v62 =	vadd.s32 $0x580, v61;
	_ =	sdelay $0x4  }
0xc3: {  	[tilespmem:v62+s10+$0x0] =	vst.idx.msk vm10, v10  }
0xc4: {  	v39 =	vld [tilespmem:$0x90]  }
0xc5: {  	v63 =	vld [tilespmem:$0x110];
	_ =	sdelay $0x3  }
0xc6: {  	vm11 =	veq.s32 v39, v38  }
0xc7: {  	v44 =	vadd.s32 $0x580, v63;
	_ =	sdelay $0x4  }
0xc8: {  	[tilespmem:v44+s10+$0x0] =	vst.idx.msk vm11, v10  }
0xc9: {  	v38 =	vld.idx.msk [tilespmem:v18+s9+$0x0], $0xffff  }
0xca: {  	v45 =	vld [tilespmem:$0x80]  }
0xcb: {  	v46 =	vld [tilespmem:$0x100];
	_ =	sdelay $0x3  }
0xcc: {  	vm12 =	veq.s32 v45, v38  }
0xcd: {  	v47 =	vadd.s32 $0x600, v46;
	_ =	sdelay $0x4  }
0xce: {  	[tilespmem:v47+s10+$0x0] =	vst.idx.msk vm12, v10  }
0xcf: {  	v39 =	vld [tilespmem:$0x90]  }
0xd0: {  	v48 =	vld [tilespmem:$0x110];
	_ =	sdelay $0x3  }
0xd1: {  	vm13 =	veq.s32 v39, v38  }
0xd2: {  	v49 =	vadd.s32 $0x600, v48;
	_ =	sdelay $0x4  }
0xd3: {  	[tilespmem:v49+s10+$0x0] =	vst.idx.msk vm13, v10  }
0xd4: {  	v38 =	vld.idx.msk [tilespmem:v19+s9+$0x0], $0xffff  }
0xd5: {  	v50 =	vld [tilespmem:$0x80]  }
0xd6: {  	v51 =	vld [tilespmem:$0x100];
	_ =	sdelay $0x3  }
0xd7: {  	vm14 =	veq.s32 v50, v38  }
0xd8: {  	v52 =	vadd.s32 $0x680, v51;
	_ =	sdelay $0x4  }
0xd9: {  	[tilespmem:v52+s10+$0x0] =	vst.idx.msk vm14, v10  }
0xda: {  	v39 =	vld [tilespmem:$0x90]  }
0xdb: {  	v53 =	vld [tilespmem:$0x110];
	_ =	sdelay $0x3  }
0xdc: {  	vm15 =	veq.s32 v39, v38  }
0xdd: {  	v54 =	vadd.s32 $0x680, v53;
	_ =	sdelay $0x4  }
0xde: {  	[tilespmem:v54+s10+$0x0] =	vst.idx.msk vm15, v10  }
0xdf: {  	v38 =	vld.idx.msk [tilespmem:v20+s9+$0x0], $0xffff  }
0xe0: {  	v55 =	vld [tilespmem:$0x80]  }
0xe1: {  	v56 =	vld [tilespmem:$0x100];
	_ =	sdelay $0x3  }
0xe2: {  	vm4 =	veq.s32 v55, v38  }
0xe3: {  	v57 =	vadd.s32 $0x700, v56;
	_ =	sdelay $0x4  }
0xe4: {  	[tilespmem:v57+s10+$0x0] =	vst.idx.msk vm4, v10  }
0xe5: {  	v39 =	vld [tilespmem:$0x90]  }
0xe6: {  	v58 =	vld [tilespmem:$0x110];
	_ =	sdelay $0x3  }
0xe7: {  	vm5 =	veq.s32 v39, v38  }
0xe8: {  	v59 =	vadd.s32 $0x700, v58;
	_ =	sdelay $0x4  }
0xe9: {  	[tilespmem:v59+s10+$0x0] =	vst.idx.msk vm5, v10  }
0xea: {  	v38 =	vld.idx.msk [tilespmem:v21+s9+$0x0], $0xffff  }
0xeb: {  	v60 =	vld [tilespmem:$0x80]  }
0xec: {  	v61 =	vld [tilespmem:$0x100];
	_ =	sdelay $0x3  }
0xed: {  	vm6 =	veq.s32 v60, v38  }
0xee: {  	v62 =	vadd.s32 $0x780, v61;
	_ =	sdelay $0x4  }
0xef: {  	[tilespmem:v62+s10+$0x0] =	vst.idx.msk vm6, v10  }
0xf0: {  	v39 =	vld [tilespmem:$0x90]  }
0xf1: {  	v63 =	vld [tilespmem:$0x110];
	_ =	sdelay $0x3  }
0xf2: {  	vm7 =	veq.s32 v39, v38  }
0xf3: {  	v44 =	vadd.s32 $0x780, v63;
	_ =	sdelay $0x4  }
0xf4: {  	[tilespmem:v44+s10+$0x0] =	vst.idx.msk vm7, v10  }
0xf5: {  	v38 =	vld.idx.msk [tilespmem:v22+s9+$0x0], $0xffff  }
0xf6: {  	v45 =	vld [tilespmem:$0x80]  }
0xf7: {  	v46 =	vld [tilespmem:$0x100];
	_ =	sdelay $0x3  }
0xf8: {  	vm8 =	veq.s32 v45, v38  }
0xf9: {  	v47 =	vadd.s32 $0x800, v46;
	_ =	sdelay $0x4  }
0xfa: {  	[tilespmem:v47+s10+$0x0] =	vst.idx.msk vm8, v10  }
0xfb: {  	v39 =	vld [tilespmem:$0x90]  }
0xfc: {  	v48 =	vld [tilespmem:$0x110];
	_ =	sdelay $0x3  }
0xfd: {  	vm9 =	veq.s32 v39, v38  }
0xfe: {  	v49 =	vadd.s32 $0x800, v48;
	_ =	sdelay $0x4  }
0xff: {  	[tilespmem:v49+s10+$0x0] =	vst.idx.msk vm9, v10  }
0x100: {  	v38 =	vld.idx.msk [tilespmem:v23+s9+$0x0], $0xffff  }
0x101: {  	v50 =	vld [tilespmem:$0x80]  }
0x102: {  	v51 =	vld [tilespmem:$0x100];
	_ =	sdelay $0x3  }
0x103: {  	vm10 =	veq.s32 v50, v38  }
0x104: {  	v52 =	vadd.s32 $0x880, v51;
	_ =	sdelay $0x4  }
0x105: {  	[tilespmem:v52+s10+$0x0] =	vst.idx.msk vm10, v10  }
0x106: {  	v39 =	vld [tilespmem:$0x90]  }
0x107: {  	v53 =	vld [tilespmem:$0x110];
	_ =	sdelay $0x3  }
0x108: {  	vm11 =	veq.s32 v39, v38  }
0x109: {  	v54 =	vadd.s32 $0x880, v53;
	_ =	sdelay $0x4  }
0x10a: {  	[tilespmem:v54+s10+$0x0] =	vst.idx.msk vm11, v10  }
0x10b: {  	v38 =	vld.idx.msk [tilespmem:v24+s9+$0x0], $0xffff  }
0x10c: {  	v55 =	vld [tilespmem:$0x80]  }
0x10d: {  	v56 =	vld [tilespmem:$0x100];
	_ =	sdelay $0x3  }
0x10e: {  	vm12 =	veq.s32 v55, v38  }
0x10f: {  	v57 =	vadd.s32 $0x900, v56;
	_ =	sdelay $0x4  }
0x110: {  	[tilespmem:v57+s10+$0x0] =	vst.idx.msk vm12, v10  }
0x111: {  	v39 =	vld [tilespmem:$0x90]  }
0x112: {  	v58 =	vld [tilespmem:$0x110];
	_ =	sdelay $0x3  }
0x113: {  	vm13 =	veq.s32 v39, v38  }
0x114: {  	v59 =	vadd.s32 $0x900, v58;
	_ =	sdelay $0x4  }
0x115: {  	[tilespmem:v59+s10+$0x0] =	vst.idx.msk vm13, v10  }
0x116: {  	v38 =	vld.idx.msk [tilespmem:v25+s9+$0x0], $0xffff  }
0x117: {  	v60 =	vld [tilespmem:$0x80]  }
0x118: {  	v61 =	vld [tilespmem:$0x100];
	_ =	sdelay $0x3  }
0x119: {  	vm14 =	veq.s32 v60, v38  }
0x11a: {  	v62 =	vadd.s32 $0x980, v61;
	_ =	sdelay $0x4  }
0x11b: {  	[tilespmem:v62+s10+$0x0] =	vst.idx.msk vm14, v10  }
0x11c: {  	v39 =	vld [tilespmem:$0x90]  }
0x11d: {  	v63 =	vld [tilespmem:$0x110];
	_ =	sdelay $0x3  }
0x11e: {  	vm15 =	veq.s32 v39, v38  }
0x11f: {  	v44 =	vadd.s32 $0x980, v63;
	_ =	sdelay $0x4  }
0x120: {  	[tilespmem:v44+s10+$0x0] =	vst.idx.msk vm15, v10  }
0x121: {  	v38 =	vld.idx.msk [tilespmem:v26+s9+$0x0], $0xffff  }
0x122: {  	v45 =	vld [tilespmem:$0x80]  }
0x123: {  	v46 =	vld [tilespmem:$0x100];
	_ =	sdelay $0x3  }
0x124: {  	vm4 =	veq.s32 v45, v38  }
0x125: {  	v47 =	vadd.s32 $0xA00, v46;
	_ =	sdelay $0x4  }
0x126: {  	[tilespmem:v47+s10+$0x0] =	vst.idx.msk vm4, v10  }
0x127: {  	v39 =	vld [tilespmem:$0x90]  }
0x128: {  	v48 =	vld [tilespmem:$0x110];
	_ =	sdelay $0x3  }
0x129: {  	vm5 =	veq.s32 v39, v38  }
0x12a: {  	v49 =	vadd.s32 $0xA00, v48;
	_ =	sdelay $0x4  }
0x12b: {  	[tilespmem:v49+s10+$0x0] =	vst.idx.msk vm5, v10  }
0x12c: {  	v38 =	vld.idx.msk [tilespmem:v27+s9+$0x0], $0xffff  }
0x12d: {  	v50 =	vld [tilespmem:$0x80]  }
0x12e: {  	v51 =	vld [tilespmem:$0x100];
	_ =	sdelay $0x3  }
0x12f: {  	vm6 =	veq.s32 v50, v38  }
0x130: {  	v52 =	vadd.s32 $0xA80, v51;
	_ =	sdelay $0x4  }
0x131: {  	[tilespmem:v52+s10+$0x0] =	vst.idx.msk vm6, v10  }
0x132: {  	v39 =	vld [tilespmem:$0x90]  }
0x133: {  	v53 =	vld [tilespmem:$0x110];
	_ =	sdelay $0x3  }
0x134: {  	vm7 =	veq.s32 v39, v38  }
0x135: {  	v54 =	vadd.s32 $0xA80, v53;
	_ =	sdelay $0x4  }
0x136: {  	[tilespmem:v54+s10+$0x0] =	vst.idx.msk vm7, v10  }
0x137: {  	v38 =	vld.idx.msk [tilespmem:v28+s9+$0x0], $0xffff  }
0x138: {  	v55 =	vld [tilespmem:$0x80]  }
0x139: {  	v56 =	vld [tilespmem:$0x100];
	_ =	sdelay $0x3  }
0x13a: {  	vm8 =	veq.s32 v55, v38  }
0x13b: {  	v57 =	vadd.s32 $0xB00, v56;
	_ =	sdelay $0x4  }
0x13c: {  	[tilespmem:v57+s10+$0x0] =	vst.idx.msk vm8, v10  }
0x13d: {  	v39 =	vld [tilespmem:$0x90]  }
0x13e: {  	v58 =	vld [tilespmem:$0x110];
	_ =	sdelay $0x3  }
0x13f: {  	vm9 =	veq.s32 v39, v38  }
0x140: {  	v59 =	vadd.s32 $0xB00, v58;
	_ =	sdelay $0x4  }
0x141: {  	[tilespmem:v59+s10+$0x0] =	vst.idx.msk vm9, v10  }
0x142: {  	v38 =	vld.idx.msk [tilespmem:v29+s9+$0x0], $0xffff  }
0x143: {  	v60 =	vld [tilespmem:$0x80]  }
0x144: {  	v61 =	vld [tilespmem:$0x100];
	_ =	sdelay $0x3  }
0x145: {  	vm10 =	veq.s32 v60, v38  }
0x146: {  	v62 =	vadd.s32 $0xB80, v61;
	_ =	sdelay $0x4  }
0x147: {  	[tilespmem:v62+s10+$0x0] =	vst.idx.msk vm10, v10  }
0x148: {  	v39 =	vld [tilespmem:$0x90]  }
0x149: {  	v63 =	vld [tilespmem:$0x110];
	_ =	sdelay $0x3  }
0x14a: {  	vm11 =	veq.s32 v39, v38  }
0x14b: {  	v44 =	vadd.s32 $0xB80, v63;
	_ =	sdelay $0x4  }
0x14c: {  	[tilespmem:v44+s10+$0x0] =	vst.idx.msk vm11, v10  }
0x14d: {  	v38 =	vld.idx.msk [tilespmem:v30+s9+$0x0], $0xffff  }
0x14e: {  	v45 =	vld [tilespmem:$0x80]  }
0x14f: {  	v46 =	vld [tilespmem:$0x100];
	_ =	sdelay $0x3  }
0x150: {  	vm12 =	veq.s32 v45, v38  }
0x151: {  	v47 =	vadd.s32 $0xC00, v46;
	_ =	sdelay $0x4  }
0x152: {  	[tilespmem:v47+s10+$0x0] =	vst.idx.msk vm12, v10  }
0x153: {  	v39 =	vld [tilespmem:$0x90]  }
0x154: {  	v48 =	vld [tilespmem:$0x110];
	_ =	sdelay $0x3  }
0x155: {  	vm13 =	veq.s32 v39, v38  }
0x156: {  	v49 =	vadd.s32 $0xC00, v48;
	_ =	sdelay $0x4  }
0x157: {  	[tilespmem:v49+s10+$0x0] =	vst.idx.msk vm13, v10  }
0x158: {  	v38 =	vld.idx.msk [tilespmem:v31+s9+$0x0], $0xffff  }
0x159: {  	v50 =	vld [tilespmem:$0x80]  }
0x15a: {  	v51 =	vld [tilespmem:$0x100];
	_ =	sdelay $0x3  }
0x15b: {  	vm14 =	veq.s32 v50, v38  }
0x15c: {  	v52 =	vadd.s32 $0xC80, v51;
	_ =	sdelay $0x4  }
0x15d: {  	[tilespmem:v52+s10+$0x0] =	vst.idx.msk vm14, v10  }
0x15e: {  	v39 =	vld [tilespmem:$0x90]  }
0x15f: {  	v53 =	vld [tilespmem:$0x110];
	_ =	sdelay $0x3  }
0x160: {  	vm15 =	veq.s32 v39, v38  }
0x161: {  	v54 =	vadd.s32 $0xC80, v53;
	_ =	sdelay $0x4  }
0x162: {  	[tilespmem:v54+s10+$0x0] =	vst.idx.msk vm15, v10  }
0x163: {  	v38 =	vld.idx.msk [tilespmem:v32+s9+$0x0], $0xffff  }
0x164: {  	v55 =	vld [tilespmem:$0x80]  }
0x165: {  	v56 =	vld [tilespmem:$0x100];
	_ =	sdelay $0x3  }
0x166: {  	vm4 =	veq.s32 v55, v38  }
0x167: {  	v57 =	vadd.s32 $0xD00, v56;
	_ =	sdelay $0x4  }
0x168: {  	[tilespmem:v57+s10+$0x0] =	vst.idx.msk vm4, v10  }
0x169: {  	v39 =	vld [tilespmem:$0x90]  }
0x16a: {  	v58 =	vld [tilespmem:$0x110];
	_ =	sdelay $0x3  }
0x16b: {  	vm5 =	veq.s32 v39, v38  }
0x16c: {  	v59 =	vadd.s32 $0xD00, v58;
	_ =	sdelay $0x4  }
0x16d: {  	[tilespmem:v59+s10+$0x0] =	vst.idx.msk vm5, v10  }
0x16e: {  	v38 =	vld.idx.msk [tilespmem:v33+s9+$0x0], $0xffff  }
0x16f: {  	v60 =	vld [tilespmem:$0x80]  }
0x170: {  	v61 =	vld [tilespmem:$0x100];
	_ =	sdelay $0x3  }
0x171: {  	vm6 =	veq.s32 v60, v38  }
0x172: {  	v62 =	vadd.s32 $0xD80, v61;
	_ =	sdelay $0x4  }
0x173: {  	[tilespmem:v62+s10+$0x0] =	vst.idx.msk vm6, v10  }
0x174: {  	v39 =	vld [tilespmem:$0x90]  }
0x175: {  	v63 =	vld [tilespmem:$0x110];
	_ =	sdelay $0x3  }
0x176: {  	vm7 =	veq.s32 v39, v38  }
0x177: {  	v43 =	vadd.s32 $0xD80, v63;
	_ =	sdelay $0x4  }
0x178: {  	[tilespmem:v43+s10+$0x0] =	vst.idx.msk vm7, v10  }
0x179: {  	v38 =	vld.idx.msk [tilespmem:v34+s9+$0x0], $0xffff  }
0x17a: {  	v44 =	vld [tilespmem:$0x80]  }
0x17b: {  	v45 =	vld [tilespmem:$0x100];
	_ =	sdelay $0x3  }
0x17c: {  	vm8 =	veq.s32 v44, v38  }
0x17d: {  	v46 =	vadd.s32 $0xE00, v45;
	_ =	sdelay $0x4  }
0x17e: {  	[tilespmem:v46+s10+$0x0] =	vst.idx.msk vm8, v10  }
0x17f: {  	v39 =	vld [tilespmem:$0x90]  }
0x180: {  	v47 =	vld [tilespmem:$0x110];
	_ =	sdelay $0x3  }
0x181: {  	vm9 =	veq.s32 v39, v38  }
0x182: {  	v48 =	vadd.s32 $0xE00, v47;
	_ =	sdelay $0x4  }
0x183: {  	[tilespmem:v48+s10+$0x0] =	vst.idx.msk vm9, v10  }
0x184: {  	v38 =	vld.idx.msk [tilespmem:v35+s9+$0x0], $0xffff  }
0x185: {  	v49 =	vld [tilespmem:$0x80]  }
0x186: {  	v50 =	vld [tilespmem:$0x100];
	_ =	sdelay $0x3  }
0x187: {  	vm10 =	veq.s32 v49, v38  }
0x188: {  	v51 =	vadd.s32 $0xE80, v50;
	_ =	sdelay $0x4  }
0x189: {  	[tilespmem:v51+s10+$0x0] =	vst.idx.msk vm10, v10  }
0x18a: {  	v39 =	vld [tilespmem:$0x90]  }
0x18b: {  	v52 =	vld [tilespmem:$0x110];
	_ =	sdelay $0x3  }
0x18c: {  	vm11 =	veq.s32 v39, v38  }
0x18d: {  	v53 =	vadd.s32 $0xE80, v52;
	_ =	sdelay $0x4  }
0x18e: {  	[tilespmem:v53+s10+$0x0] =	vst.idx.msk vm11, v10  }
0x18f: {  	v38 =	vld.idx.msk [tilespmem:v36+s9+$0x0], $0xffff  }
0x190: {  	v54 =	vld [tilespmem:$0x80]  }
0x191: {  	v55 =	vld [tilespmem:$0x100];
	_ =	sdelay $0x3  }
0x192: {  	vm12 =	veq.s32 v54, v38  }
0x193: {  	v56 =	vadd.s32 $0xF00, v55;
	_ =	sdelay $0x4  }
0x194: {  	[tilespmem:v56+s10+$0x0] =	vst.idx.msk vm12, v10  }
0x195: {  	v39 =	vld [tilespmem:$0x90]  }
0x196: {  	v57 =	vld [tilespmem:$0x110];
	_ =	sdelay $0x3  }
0x197: {  	vm13 =	veq.s32 v39, v38  }
0x198: {  	v58 =	vadd.s32 $0xF00, v57;
	_ =	sdelay $0x4  }
0x199: {  	[tilespmem:v58+s10+$0x0] =	vst.idx.msk vm13, v10  }
0x19a: {  	v38 =	vld.idx.msk [tilespmem:v37+s9+$0x0], $0xffff  }
0x19b: {  	v59 =	vld [tilespmem:$0x80]  }
0x19c: {  	v60 =	vld [tilespmem:$0x100];
	_ =	sdelay $0x3  }
0x19d: {  	vm14 =	veq.s32 v59, v38  }
0x19e: {  	v61 =	vadd.s32 $0xF80, v60;
	_ =	sdelay $0x4  }
0x19f: {  	[tilespmem:v61+s10+$0x0] =	vst.idx.msk vm14, v10  }
0x1a0: {  	v39 =	vld [tilespmem:$0x90]  }
0x1a1: {  	v62 =	vld [tilespmem:$0x110];
	_ =	sdelay $0x3  }
0x1a2: {  	vm15 =	veq.s32 v39, v38  }
0x1a3: {  	v63 =	vadd.s32 $0xF80, v62;
	_ =	sdelay $0x3  }
0x1a4: {  	p0 =	sne.s32 s5, $0x1  }
.Ltmp1:
0x1a5: {  	[tilespmem:v63+s10+$0x0] =	vst.idx.msk vm15, v10;
	(pc) =	sbr.rel @p0 .LBB2_2-.Ltmp1, $4  }
0x1a6: {  	[hbm4b:s3+s8] =	stream.indirect.scatter [tilespmem:s10], [sflag:$0x1], $0x80, s9, s8, $0xb8;
	[tilespmem:$0x2200] =	vst v63  }
0x1a7: {  	_ =	swait.ge [sflag:s11], $0x1000  }
0x1a8: {  	[sflag:s11] =	ssyncset.done $0x0  }
0x1a9: {  	s5 =	sadd.s32 $0xFFFFFFFF, s5;
	[sflag:s11] =	ssyncadd.s32 $0xFFFFF000  }
.LBB2_3:
0x1aa: {  	_ =	sfence.sel $0x180000  }
0x1ab: {  	[bflag:$0x0] =	sbarrier.arrive $0xFFFF  }
0x1ac: {  	p0 =	sne.s32 s0, $0x0;
	_ =	strace $0x90000047  }
0x1ad: {  	s0 =	sadd.s32 @!p0 $0x100000, s2;
	[bflag:$0x2] =	sbarrier.arrive $0xFFFF  }
0x1ae: {  	[sflag:s0] =	ssyncadd.tile.s32 @!p0 $0x1;
	_ =	shalt  }
.Lfunc_end2:
_tile_overlayer_lowered:
.L_overlay_start_2:
0x1af: {  	(tag) =	ssettag $0x2  }
0x1b0: {  	s0 =	rddreg [dreg:$0x0];
	s2 =	stileid.u32  }
0x1b1: {  	s1 =	rddreg [dreg:$0x1];
	p0 =	sne.s32 s2, $0x0  }
0x1b2: {  	s3 =	rddreg [dreg:$0x2];
	[bflag:$0x3] =	sbarrier.arrive $0xFFFF;
	s2 =	simm.s32 @!p0 $0x1C02  }
0x1b3: {  	[timem:s3], [sflag:s2] =	dma.local @!p0 [hbm:s0], s1  }
0x1b4: {  	s0 =	simm.s32 @!p0 $0x2  }
0x1b5: {  	_ =	swait.ge @!p0 [sflag:s0], s1  }
0x1b6: {  	s1 =	ssub.s32 @!p0 $0x0, s1;
	[sflag:s0] =	ssyncset.done @!p0 $0x0  }
0x1b7: {  	[sflag:s0] =	ssyncadd.s32 @!p0 s1  }
0x1b8: {  	[bflag:$0x3] =	sbarrier.arrive $0xFFFF  }
0x1b9: {  	_ =	shalt  }

</sc_bundles>
